<compile_context>
chip_gen: v7x
topology: tpu7x:2x2x1
jax: 0.10.2.dev20260603
libtpu: 0.0.44.dev20260713+nightly
codegen_flags: <defaults>
</compile_context>

<pallas_src>
import jax
import jax.numpy as jnp
from jax import lax
from jax.experimental import pallas as pl
from jax.experimental.pallas import tpu as pltpu
from jax.experimental.pallas import tpu_sc as plsc

N_CLASSES = 1000
N_REGIMES = 64
N_EXCIPIENTS = 128
BATCH = 16384

NC = 2
NS = 16
L = 16
NW = NC * NS
BPW = BATCH // NW


def _tanh(x):
    a = jnp.abs(x)
    z = jnp.exp(a * -2.0)
    t = (1.0 - z) / (1.0 + z)
    return jnp.where(x < 0, -t, t)


def _sc_body(p_hbm, r_hbm, e_hbm, elo_hbm, ehi_hbm,
             s_hbm, d_hbm, wl_hbm, wh_hbm,
             o_score, o_d, o_wl, o_wh, o_eh, o_base, o_conc, o_res,
             o_el, o_res2,
             pv, rv, ev, lov, hiv, lin,
             gs, gd, gwl, gwh,
             cd, ceh, cbase, cconc, cres,
             sem_in, sem_f, sem_g):
    wid = lax.axis_index("s") * NC + lax.axis_index("c")
    base = wid * BPW
    in_sl = pl.ds(base, BPW)

    loads = [pltpu.async_copy(p_hbm.at[in_sl], pv, sem_in),
             pltpu.async_copy(r_hbm.at[in_sl], rv, sem_in),
             pltpu.async_copy(e_hbm.at[in_sl], ev, sem_in),
             pltpu.async_copy(elo_hbm.at[in_sl], lov, sem_f),
             pltpu.async_copy(ehi_hbm.at[in_sl], hiv, sem_f)]
    for c in loads[:3]:
        c.wait()

    def lin_body(i, _):
        sl = pl.ds(i * L, L)
        lin[sl] = (pv[sl] * (N_REGIMES * N_EXCIPIENTS)
                   + rv[sl] * N_EXCIPIENTS + ev[sl])
        return 0
    lax.fori_loop(0, BPW // L, lin_body, 0)

    gathers = [pltpu.async_copy(tab.at[lin], dst, sem_g)
               for tab, dst in ((s_hbm, gs), (d_hbm, gd),
                                (wl_hbm, gwl), (wh_hbm, gwh))]

    loads[3].wait()
    loads[4].wait()

    def eh_body(i, _):
        sl = pl.ds(i * L, L)
        ceh[sl] = _tanh(hiv[sl])
        return 0
    lax.fori_loop(0, BPW // L, eh_body, 0)

    stores = [pltpu.async_copy(ceh, o_eh.at[in_sl], sem_in),
              pltpu.async_copy(lov, o_el.at[in_sl], sem_in)]

    for c in gathers:
        c.wait()

    stores += [pltpu.async_copy(gs, o_score.at[in_sl], sem_in),
               pltpu.async_copy(gwl, o_wl.at[in_sl], sem_in),
               pltpu.async_copy(gwh, o_wh.at[in_sl], sem_in)]

    def combine_body(i, _):
        sl = pl.ds(i * L, L)
        dd = jnp.clip(gd[sl], -2.0, 2.0)
        bt = gs[sl] + dd
        ct = gwl[sl] * lov[sl] + gwh[sl] * ceh[sl]
        cd[sl] = dd
        cbase[sl] = bt
        cconc[sl] = ct
        cres[sl] = bt * ct
        return 0
    lax.fori_loop(0, BPW // L, combine_body, 0)

    stores += [pltpu.async_copy(cd, o_d.at[in_sl], sem_in),
               pltpu.async_copy(cbase, o_base.at[in_sl], sem_in),
               pltpu.async_copy(cconc, o_conc.at[in_sl], sem_in),
               pltpu.async_copy(cres, o_res.at[in_sl], sem_in),
               pltpu.async_copy(cres, o_res2.at[0, in_sl], sem_in)]
    for c in stores:
        c.wait()


@jax.jit
def _sc_gather(p_idx, r_idx, e_idx, e_low, e_high, s, d, wl, wh):
    f32 = jnp.float32
    out_type = tuple(jax.ShapeDtypeStruct((BATCH,), f32) for _ in range(9)) \
        + (jax.ShapeDtypeStruct((1, BATCH), f32),)
    scratch = [
        pltpu.VMEM((BPW,), jnp.int32),
        pltpu.VMEM((BPW,), jnp.int32),
        pltpu.VMEM((BPW,), jnp.int32),
        pltpu.VMEM((BPW,), f32),
        pltpu.VMEM((BPW,), f32),
        pltpu.VMEM((BPW,), jnp.int32),
        pltpu.VMEM((BPW,), f32),
        pltpu.VMEM((BPW,), f32),
        pltpu.VMEM((BPW,), f32),
        pltpu.VMEM((BPW,), f32),
        pltpu.VMEM((BPW,), f32),
        pltpu.VMEM((BPW,), f32),
        pltpu.VMEM((BPW,), f32),
        pltpu.VMEM((BPW,), f32),
        pltpu.VMEM((BPW,), f32),
        pltpu.SemaphoreType.DMA,
        pltpu.SemaphoreType.DMA,
        pltpu.SemaphoreType.DMA,
    ]
    run = pl.kernel(
        _sc_body,
        out_type=out_type,
        mesh=plsc.VectorSubcoreMesh(core_axis_name="c", subcore_axis_name="s"),
        scratch_types=scratch,
    )
    return run(p_idx, r_idx, e_idx, e_low, e_high, s, d, wl, wh)


def kernel(p_idx, r_idx, e_idx, e_low_norm, e_high_norm,
           static_scores, delta, w_L, w_H):
    (score, dd, wl, wh, eh, base_term, conc_term, result, el,
     result2d) = _sc_gather(
        p_idx.astype(jnp.int32), r_idx.astype(jnp.int32),
        e_idx.astype(jnp.int32),
        e_low_norm.reshape(-1), e_high_norm.reshape(-1),
        static_scores.reshape(-1), delta.reshape(-1),
        w_L.reshape(-1), w_H.reshape(-1))
    details = {
        'static_score': score,
        'delta': dd,
        'w_L': wl,
        'w_H': wh,
        'e_low_norm': el,
        'e_high_norm': eh,
        'base_term': base_term,
        'conc_term': conc_term,
        'result': result,
    }
    return (result2d.reshape(BATCH, 1), details)

# --- scband reference (transcript-rebuilt; emitter-appended) ---
"""Pipeline reference for scband-learnable-physics-prior-79929341378789 (READ-ONLY COPY).

The authoritative reference and input builder live on the scoring server;
editing this copy changes nothing except your own understanding.
"""

import jax, jax.numpy as jnp
import numpy as np

N_CLASSES = 1000
N_REGIMES = 64
N_EXCIPIENTS = 128
BATCH = 16384


def setup_inputs(seed: int = 0) -> dict:
    key = jax.random.key(seed)
    ks = jax.random.split(key, 9)
    p_idx = jax.random.randint(ks[0], (BATCH,), 0, N_CLASSES, dtype=jnp.int64 if jax.config.jax_enable_x64 else jnp.int32)
    r_idx = jax.random.randint(ks[1], (BATCH,), 0, N_REGIMES, dtype=jnp.int64 if jax.config.jax_enable_x64 else jnp.int32)
    e_idx = jax.random.randint(ks[2], (BATCH,), 0, N_EXCIPIENTS, dtype=jnp.int64 if jax.config.jax_enable_x64 else jnp.int32)
    e_low_norm = jax.random.normal(ks[3], (BATCH,), dtype=jnp.float32)
    e_high_norm = jax.random.normal(ks[4], (BATCH,), dtype=jnp.float32)
    # learned params / buffer (randomly initialized to be non-degenerate)
    static_scores = jax.random.normal(ks[5], (N_CLASSES, N_REGIMES, N_EXCIPIENTS), dtype=jnp.float32)
    delta = jax.random.normal(ks[6], (N_CLASSES, N_REGIMES, N_EXCIPIENTS), dtype=jnp.float32) * 0.1
    w_L = 0.5 + 0.01 * jax.random.normal(ks[7], (N_CLASSES, N_REGIMES, N_EXCIPIENTS), dtype=jnp.float32)
    w_H = 1.0 + 0.01 * jax.random.normal(ks[8], (N_CLASSES, N_REGIMES, N_EXCIPIENTS), dtype=jnp.float32)
    return {
        'p_idx': p_idx,
        'r_idx': r_idx,
        'e_idx': e_idx,
        'e_low_norm': e_low_norm,
        'e_high_norm': e_high_norm,
        'static_scores': static_scores,
        'delta': delta,
        'w_L': w_L,
        'w_H': w_H,
    }


def reference(p_idx, r_idx, e_idx, e_low_norm, e_high_norm, static_scores, delta, w_L, w_H):
    # gather scalars from 3D tables via advanced indexing (SparseCore gather)
    score = static_scores[p_idx, r_idx, e_idx]
    d = jnp.clip(delta[p_idx, r_idx, e_idx], -2.0, 2.0)
    wl = w_L[p_idx, r_idx, e_idx]
    wh = w_H[p_idx, r_idx, e_idx]
    el = e_low_norm.reshape(-1)
    eh = jnp.tanh(e_high_norm.reshape(-1))
    base_term = score + d
    conc_term = wl * el + wh * eh
    result = base_term * conc_term
    details = {
        'static_score': score,
        'delta': d,
        'w_L': wl,
        'w_H': wh,
        'e_low_norm': el,
        'e_high_norm': eh,
        'base_term': base_term,
        'conc_term': conc_term,
        'result': result,
    }
    return (result[:, None], details)

if __name__ == "__main__":
    import jax
    _d = setup_inputs()
    print(jax.jit(kernel)(*tuple(_d.values())))

</pallas_src>

<mosaic_0001>
#map = affine_map<(d0, d1) -> (0)>
#map1 = affine_map<(d0, d1) -> (0, 0)>
module attributes {stable_mosaic.version = 14 : i64} {
  func.func @_sc_body(%arg0: i32, %arg1: i32, %arg2: memref<16384xi32, #tpu.memory_space<hbm>>, %arg3: memref<16384xi32, #tpu.memory_space<hbm>>, %arg4: memref<16384xi32, #tpu.memory_space<hbm>>, %arg5: memref<16384xf32, #tpu.memory_space<hbm>>, %arg6: memref<16384xf32, #tpu.memory_space<hbm>>, %arg7: memref<8192000xf32, #tpu.memory_space<hbm>>, %arg8: memref<8192000xf32, #tpu.memory_space<hbm>>, %arg9: memref<8192000xf32, #tpu.memory_space<hbm>>, %arg10: memref<8192000xf32, #tpu.memory_space<hbm>>, %arg11: memref<16384xf32, #tpu.memory_space<hbm>>, %arg12: memref<16384xf32, #tpu.memory_space<hbm>>, %arg13: memref<16384xf32, #tpu.memory_space<hbm>>, %arg14: memref<16384xf32, #tpu.memory_space<hbm>>, %arg15: memref<16384xf32, #tpu.memory_space<hbm>>, %arg16: memref<16384xf32, #tpu.memory_space<hbm>>, %arg17: memref<16384xf32, #tpu.memory_space<hbm>>, %arg18: memref<16384xf32, #tpu.memory_space<hbm>>, %arg19: memref<16384xf32, #tpu.memory_space<hbm>>, %arg20: memref<1x16384xf32, #tpu.memory_space<hbm>>, %arg21: memref<512xi32, #tpu.memory_space<vmem>>, %arg22: memref<512xi32, #tpu.memory_space<vmem>>, %arg23: memref<512xi32, #tpu.memory_space<vmem>>, %arg24: memref<512xf32, #tpu.memory_space<vmem>>, %arg25: memref<512xf32, #tpu.memory_space<vmem>>, %arg26: memref<512xi32, #tpu.memory_space<vmem>>, %arg27: memref<512xf32, #tpu.memory_space<vmem>>, %arg28: memref<512xf32, #tpu.memory_space<vmem>>, %arg29: memref<512xf32, #tpu.memory_space<vmem>>, %arg30: memref<512xf32, #tpu.memory_space<vmem>>, %arg31: memref<512xf32, #tpu.memory_space<vmem>>, %arg32: memref<512xf32, #tpu.memory_space<vmem>>, %arg33: memref<512xf32, #tpu.memory_space<vmem>>, %arg34: memref<512xf32, #tpu.memory_space<vmem>>, %arg35: memref<512xf32, #tpu.memory_space<vmem>>, %arg36: memref<!tpu.dma_semaphore, #tpu.memory_space<semaphore_mem>>, %arg37: memref<!tpu.dma_semaphore, #tpu.memory_space<semaphore_mem>>, %arg38: memref<!tpu.dma_semaphore, #tpu.memory_space<semaphore_mem>>) attributes {dimension_semantics = [#tpu.dimension_semantics<core_parallel>, #tpu.dimension_semantics<subcore_parallel>], iteration_bounds = array<i64: 2, 16>, scalar_prefetch = 0 : i64, scratch_operands = 18 : i64, tpu.core_type = #tpu.core_type<sc_vector_subcore>, window_params = [{transform_indices = #map}, {transform_indices = #map}, {transform_indices = #map}, {transform_indices = #map}, {transform_indices = #map}, {transform_indices = #map}, {transform_indices = #map}, {transform_indices = #map}, {transform_indices = #map}, {transform_indices = #map}, {transform_indices = #map}, {transform_indices = #map}, {transform_indices = #map}, {transform_indices = #map}, {transform_indices = #map}, {transform_indices = #map}, {transform_indices = #map}, {transform_indices = #map}, {transform_indices = #map1}]} {
    %mul3A = arith.constant 2 : i32
    %mul3A_0 = arith.muli %arg1, %mul3A : i32
    %add3A = arith.addi %mul3A_0, %arg0 : i32
    %mul3A_1 = arith.constant 512 : i32
    %mul3A_2 = arith.muli %add3A, %mul3A_1 : i32
    %dma_start3A = tpu.memref_slice %arg2[%mul3A_2] : memref<16384xi32, #tpu.memory_space<hbm>> -> memref<512xi32, #tpu.memory_space<hbm>>
    %dma_start3A_3 = tpu.memref_slice %arg2[%mul3A_2] : memref<16384xi32, #tpu.memory_space<hbm>> -> memref<512xi32, #tpu.memory_space<hbm>>
    tpu.enqueue_dma source(%dma_start3A_3 : memref<512xi32, #tpu.memory_space<hbm>>) target(%arg21 : memref<512xi32, #tpu.memory_space<vmem>>) target_semaphore(%arg36 : memref<!tpu.dma_semaphore, #tpu.memory_space<semaphore_mem>>)
    %dma_start3A_4 = tpu.memref_slice %arg3[%mul3A_2] : memref<16384xi32, #tpu.memory_space<hbm>> -> memref<512xi32, #tpu.memory_space<hbm>>
    %dma_start3A_5 = tpu.memref_slice %arg3[%mul3A_2] : memref<16384xi32, #tpu.memory_space<hbm>> -> memref<512xi32, #tpu.memory_space<hbm>>
    tpu.enqueue_dma source(%dma_start3A_5 : memref<512xi32, #tpu.memory_space<hbm>>) target(%arg22 : memref<512xi32, #tpu.memory_space<vmem>>) target_semaphore(%arg36 : memref<!tpu.dma_semaphore, #tpu.memory_space<semaphore_mem>>)
    %dma_start3A_6 = tpu.memref_slice %arg4[%mul3A_2] : memref<16384xi32, #tpu.memory_space<hbm>> -> memref<512xi32, #tpu.memory_space<hbm>>
    %dma_start3A_7 = tpu.memref_slice %arg4[%mul3A_2] : memref<16384xi32, #tpu.memory_space<hbm>> -> memref<512xi32, #tpu.memory_space<hbm>>
    tpu.enqueue_dma source(%dma_start3A_7 : memref<512xi32, #tpu.memory_space<hbm>>) target(%arg23 : memref<512xi32, #tpu.memory_space<vmem>>) target_semaphore(%arg36 : memref<!tpu.dma_semaphore, #tpu.memory_space<semaphore_mem>>)
    %dma_start3A_8 = tpu.memref_slice %arg5[%mul3A_2] : memref<16384xf32, #tpu.memory_space<hbm>> -> memref<512xf32, #tpu.memory_space<hbm>>
    %dma_start3A_9 = tpu.memref_slice %arg5[%mul3A_2] : memref<16384xf32, #tpu.memory_space<hbm>> -> memref<512xf32, #tpu.memory_space<hbm>>
    tpu.enqueue_dma source(%dma_start3A_9 : memref<512xf32, #tpu.memory_space<hbm>>) target(%arg24 : memref<512xf32, #tpu.memory_space<vmem>>) target_semaphore(%arg37 : memref<!tpu.dma_semaphore, #tpu.memory_space<semaphore_mem>>)
    %dma_start3A_10 = tpu.memref_slice %arg6[%mul3A_2] : memref<16384xf32, #tpu.memory_space<hbm>> -> memref<512xf32, #tpu.memory_space<hbm>>
    %dma_start3A_11 = tpu.memref_slice %arg6[%mul3A_2] : memref<16384xf32, #tpu.memory_space<hbm>> -> memref<512xf32, #tpu.memory_space<hbm>>
    tpu.enqueue_dma source(%dma_start3A_11 : memref<512xf32, #tpu.memory_space<hbm>>) target(%arg25 : memref<512xf32, #tpu.memory_space<vmem>>) target_semaphore(%arg37 : memref<!tpu.dma_semaphore, #tpu.memory_space<semaphore_mem>>)
    %dma_wait3A = tpu.memref_slice %arg2[%mul3A_2] : memref<16384xi32, #tpu.memory_space<hbm>> -> memref<512xi32, #tpu.memory_space<hbm>>
    %dma_wait3A_12 = tpu.memref_slice %arg2[%mul3A_2] : memref<16384xi32, #tpu.memory_space<hbm>> -> memref<512xi32, #tpu.memory_space<hbm>>
    tpu.wait_dma2 semaphore(%arg36 : memref<!tpu.dma_semaphore, #tpu.memory_space<semaphore_mem>>) src(%dma_wait3A_12 : memref<512xi32, #tpu.memory_space<hbm>>) dst(%arg21 : memref<512xi32, #tpu.memory_space<vmem>>)
    %dma_wait3A_13 = tpu.memref_slice %arg3[%mul3A_2] : memref<16384xi32, #tpu.memory_space<hbm>> -> memref<512xi32, #tpu.memory_space<hbm>>
    %dma_wait3A_14 = tpu.memref_slice %arg3[%mul3A_2] : memref<16384xi32, #tpu.memory_space<hbm>> -> memref<512xi32, #tpu.memory_space<hbm>>
    tpu.wait_dma2 semaphore(%arg36 : memref<!tpu.dma_semaphore, #tpu.memory_space<semaphore_mem>>) src(%dma_wait3A_14 : memref<512xi32, #tpu.memory_space<hbm>>) dst(%arg22 : memref<512xi32, #tpu.memory_space<vmem>>)
    %dma_wait3A_15 = tpu.memref_slice %arg4[%mul3A_2] : memref<16384xi32, #tpu.memory_space<hbm>> -> memref<512xi32, #tpu.memory_space<hbm>>
    %dma_wait3A_16 = tpu.memref_slice %arg4[%mul3A_2] : memref<16384xi32, #tpu.memory_space<hbm>> -> memref<512xi32, #tpu.memory_space<hbm>>
    tpu.wait_dma2 semaphore(%arg36 : memref<!tpu.dma_semaphore, #tpu.memory_space<semaphore_mem>>) src(%dma_wait3A_16 : memref<512xi32, #tpu.memory_space<hbm>>) dst(%arg23 : memref<512xi32, #tpu.memory_space<vmem>>)
    %scan3A = arith.constant 0 : i32
    %scan3A_17 = arith.constant 0 : i32
    %scan3A_18 = arith.constant 32 : i32
    %scan3A_19 = arith.addi %scan3A_17, %scan3A_18 : i32
    %scan3A_20 = arith.constant 1 : i32
    %scan3A_21 = scf.for %scan3A_103 = %scan3A_17 to %scan3A_19 step %scan3A_20 iter_args(%scan3A_104 = %scan3A) -> (i32)  : i32 {
      %mul3A_105 = arith.constant 16 : i32
      %mul3A_106 = arith.muli %scan3A_103, %mul3A_105 : i32
      %get3A = arith.index_cast %mul3A_106 : i32 to index
      %get3A_107 = tpu.vector_load %arg21[%get3A] {strides = array<i32>} : memref<512xi32, #tpu.memory_space<vmem>>, vector<16xi32>,
      %get3A_108 = vector.shape_cast %get3A_107 : vector<16xi32> to vector<16xi32>
      %mul3A_109 = arith.constant 8192 : i32
      %mul3A_110 = vector.broadcast %mul3A_109 : i32 to vector<16xi32>
      %mul3A_111 = arith.muli %get3A_108, %mul3A_110 : vector<16xi32>
      %get3A_112 = arith.index_cast %mul3A_106 : i32 to index
      %get3A_113 = tpu.vector_load %arg22[%get3A_112] {strides = array<i32>} : memref<512xi32, #tpu.memory_space<vmem>>, vector<16xi32>,
      %get3A_114 = vector.shape_cast %get3A_113 : vector<16xi32> to vector<16xi32>
      %mul3A_115 = arith.constant 128 : i32
      %mul3A_116 = vector.broadcast %mul3A_115 : i32 to vector<16xi32>
      %mul3A_117 = arith.muli %get3A_114, %mul3A_116 : vector<16xi32>
      %add3A_118 = arith.addi %mul3A_111, %mul3A_117 : vector<16xi32>
      %get3A_119 = arith.index_cast %mul3A_106 : i32 to index
      %get3A_120 = tpu.vector_load %arg23[%get3A_119] {strides = array<i32>} : memref<512xi32, #tpu.memory_space<vmem>>, vector<16xi32>,
      %get3A_121 = vector.shape_cast %get3A_120 : vector<16xi32> to vector<16xi32>
      %add3A_122 = arith.addi %add3A_118, %get3A_121 : vector<16xi32>
      %swap3A = arith.index_cast %mul3A_106 : i32 to index
      %swap3A_123 = tpu.vector_load %arg26[%swap3A] {strides = array<i32>} : memref<512xi32, #tpu.memory_space<vmem>>, vector<16xi32>,
      %swap3A_124 = vector.shape_cast %swap3A_123 : vector<16xi32> to vector<16xi32>
      %swap3A_125 = vector.shape_cast %add3A_122 : vector<16xi32> to vector<16xi32>
      tpu.vector_store %arg26[%swap3A], %swap3A_125 {strides = array<i32>} : memref<512xi32, #tpu.memory_space<vmem>>, vector<16xi32>,
      %scan3A_126 = arith.constant 0 : i32
      scf.yield %scan3A_126 : i32
    }
    %scan3A_22 = arith.constant 32 : i32
    %dma_start3A_23 = arith.constant 0 : i32
    %dma_start3A_24 = tpu.memref_slice %arg7[%dma_start3A_23] : memref<8192000xf32, #tpu.memory_space<hbm>> -> memref<8192000xf32, #tpu.memory_space<hbm>>
    tpu.enqueue_indirect_dma source(%dma_start3A_24 : memref<8192000xf32, #tpu.memory_space<hbm>>) target(%arg27 : memref<512xf32, #tpu.memory_space<vmem>>) offsets(%arg26 : memref<512xi32, #tpu.memory_space<vmem>>) semaphore(%arg38 : memref<!tpu.dma_semaphore, #tpu.memory_space<semaphore_mem>>)
    %dma_start3A_25 = arith.constant 0 : i32
    %dma_start3A_26 = tpu.memref_slice %arg8[%dma_start3A_25] : memref<8192000xf32, #tpu.memory_space<hbm>> -> memref<8192000xf32, #tpu.memory_space<hbm>>
    tpu.enqueue_indirect_dma source(%dma_start3A_26 : memref<8192000xf32, #tpu.memory_space<hbm>>) target(%arg28 : memref<512xf32, #tpu.memory_space<vmem>>) offsets(%arg26 : memref<512xi32, #tpu.memory_space<vmem>>) semaphore(%arg38 : memref<!tpu.dma_semaphore, #tpu.memory_space<semaphore_mem>>)
    %dma_start3A_27 = arith.constant 0 : i32
    %dma_start3A_28 = tpu.memref_slice %arg9[%dma_start3A_27] : memref<8192000xf32, #tpu.memory_space<hbm>> -> memref<8192000xf32, #tpu.memory_space<hbm>>
    tpu.enqueue_indirect_dma source(%dma_start3A_28 : memref<8192000xf32, #tpu.memory_space<hbm>>) target(%arg29 : memref<512xf32, #tpu.memory_space<vmem>>) offsets(%arg26 : memref<512xi32, #tpu.memory_space<vmem>>) semaphore(%arg38 : memref<!tpu.dma_semaphore, #tpu.memory_space<semaphore_mem>>)
    %dma_start3A_29 = arith.constant 0 : i32
    %dma_start3A_30 = tpu.memref_slice %arg10[%dma_start3A_29] : memref<8192000xf32, #tpu.memory_space<hbm>> -> memref<8192000xf32, #tpu.memory_space<hbm>>
    tpu.enqueue_indirect_dma source(%dma_start3A_30 : memref<8192000xf32, #tpu.memory_space<hbm>>) target(%arg30 : memref<512xf32, #tpu.memory_space<vmem>>) offsets(%arg26 : memref<512xi32, #tpu.memory_space<vmem>>) semaphore(%arg38 : memref<!tpu.dma_semaphore, #tpu.memory_space<semaphore_mem>>)
    %dma_wait3A_31 = tpu.memref_slice %arg5[%mul3A_2] : memref<16384xf32, #tpu.memory_space<hbm>> -> memref<512xf32, #tpu.memory_space<hbm>>
    %dma_wait3A_32 = tpu.memref_slice %arg5[%mul3A_2] : memref<16384xf32, #tpu.memory_space<hbm>> -> memref<512xf32, #tpu.memory_space<hbm>>
    tpu.wait_dma2 semaphore(%arg37 : memref<!tpu.dma_semaphore, #tpu.memory_space<semaphore_mem>>) src(%dma_wait3A_32 : memref<512xf32, #tpu.memory_space<hbm>>) dst(%arg24 : memref<512xf32, #tpu.memory_space<vmem>>)
    %dma_wait3A_33 = tpu.memref_slice %arg6[%mul3A_2] : memref<16384xf32, #tpu.memory_space<hbm>> -> memref<512xf32, #tpu.memory_space<hbm>>
    %dma_wait3A_34 = tpu.memref_slice %arg6[%mul3A_2] : memref<16384xf32, #tpu.memory_space<hbm>> -> memref<512xf32, #tpu.memory_space<hbm>>
    tpu.wait_dma2 semaphore(%arg37 : memref<!tpu.dma_semaphore, #tpu.memory_space<semaphore_mem>>) src(%dma_wait3A_34 : memref<512xf32, #tpu.memory_space<hbm>>) dst(%arg25 : memref<512xf32, #tpu.memory_space<vmem>>)
    %scan3A_35 = arith.constant 0 : i32
    %scan3A_36 = arith.constant 0 : i32
    %scan3A_37 = arith.constant 32 : i32
    %scan3A_38 = arith.addi %scan3A_36, %scan3A_37 : i32
    %scan3A_39 = arith.constant 1 : i32
    %scan3A_40 = scf.for %scan3A_103 = %scan3A_36 to %scan3A_38 step %scan3A_39 iter_args(%scan3A_104 = %scan3A_35) -> (i32)  : i32 {
      %mul3A_105 = arith.constant 16 : i32
      %mul3A_106 = arith.muli %scan3A_103, %mul3A_105 : i32
      %get3A = arith.index_cast %mul3A_106 : i32 to index
      %get3A_107 = tpu.vector_load %arg25[%get3A] {strides = array<i32>} : memref<512xf32, #tpu.memory_space<vmem>>, vector<16xf32>,
      %get3A_108 = vector.shape_cast %get3A_107 : vector<16xf32> to vector<16xf32>
      %abs3A = math.absf %get3A_108 : vector<16xf32>
      %mul3A_109 = arith.constant -2.000000e+00 : f32
      %mul3A_110 = vector.broadcast %mul3A_109 : f32 to vector<16xf32>
      %mul3A_111 = arith.mulf %abs3A, %mul3A_110 : vector<16xf32>
      %exp3A = math.exp %mul3A_111 : vector<16xf32>
      %sub3A = arith.constant 1.000000e+00 : f32
      %sub3A_112 = vector.broadcast %sub3A : f32 to vector<16xf32>
      %sub3A_113 = arith.subf %sub3A_112, %exp3A : vector<16xf32>
      %add3A_114 = arith.constant 1.000000e+00 : f32
      %add3A_115 = vector.broadcast %add3A_114 : f32 to vector<16xf32>
      %add3A_116 = arith.addf %add3A_115, %exp3A : vector<16xf32>
      %div3A = arith.divf %sub3A_113, %add3A_116 : vector<16xf32>
      %lt3A = arith.constant 0.000000e+00 : f32
      %lt3A_117 = vector.broadcast %lt3A : f32 to vector<16xf32>
      %lt3A_118 = arith.cmpf olt, %get3A_108, %lt3A_117 : vector<16xf32>
      %neg3A = arith.constant 0.000000e+00 : f32
      %neg3A_119 = vector.broadcast %neg3A : f32 to vector<16xf32>
      %neg3A_120 = arith.subf %neg3A_119, %div3A : vector<16xf32>
      %select_n3A = arith.select %lt3A_118, %neg3A_120, %div3A : vector<16xi1>, vector<16xf32>
      %swap3A = arith.index_cast %mul3A_106 : i32 to index
      %swap3A_121 = tpu.vector_load %arg32[%swap3A] {strides = array<i32>} : memref<512xf32, #tpu.memory_space<vmem>>, vector<16xf32>,
      %swap3A_122 = vector.shape_cast %swap3A_121 : vector<16xf32> to vector<16xf32>
      %swap3A_123 = vector.shape_cast %select_n3A : vector<16xf32> to vector<16xf32>
      tpu.vector_store %arg32[%swap3A], %swap3A_123 {strides = array<i32>} : memref<512xf32, #tpu.memory_space<vmem>>, vector<16xf32>,
      %scan3A_124 = arith.constant 0 : i32
      scf.yield %scan3A_124 : i32
    }
    %scan3A_41 = arith.constant 32 : i32
    %dma_start3A_42 = tpu.memref_slice %arg15[%mul3A_2] : memref<16384xf32, #tpu.memory_space<hbm>> -> memref<512xf32, #tpu.memory_space<hbm>>
    %dma_start3A_43 = tpu.memref_slice %arg15[%mul3A_2] : memref<16384xf32, #tpu.memory_space<hbm>> -> memref<512xf32, #tpu.memory_space<hbm>>
    tpu.enqueue_dma source(%arg32 : memref<512xf32, #tpu.memory_space<vmem>>) target(%dma_start3A_43 : memref<512xf32, #tpu.memory_space<hbm>>) target_semaphore(%arg36 : memref<!tpu.dma_semaphore, #tpu.memory_space<semaphore_mem>>)
    %dma_start3A_44 = tpu.memref_slice %arg19[%mul3A_2] : memref<16384xf32, #tpu.memory_space<hbm>> -> memref<512xf32, #tpu.memory_space<hbm>>
    %dma_start3A_45 = tpu.memref_slice %arg19[%mul3A_2] : memref<16384xf32, #tpu.memory_space<hbm>> -> memref<512xf32, #tpu.memory_space<hbm>>
    tpu.enqueue_dma source(%arg24 : memref<512xf32, #tpu.memory_space<vmem>>) target(%dma_start3A_45 : memref<512xf32, #tpu.memory_space<hbm>>) target_semaphore(%arg36 : memref<!tpu.dma_semaphore, #tpu.memory_space<semaphore_mem>>)
    %dma_wait3A_46 = arith.constant 0 : i32
    %dma_wait3A_47 = tpu.memref_slice %arg7[%dma_wait3A_46] : memref<8192000xf32, #tpu.memory_space<hbm>> -> memref<8192000xf32, #tpu.memory_space<hbm>>
    tpu.wait_indirect_dma semaphore(%arg38 : memref<!tpu.dma_semaphore, #tpu.memory_space<semaphore_mem>>) src(%dma_wait3A_47 : memref<8192000xf32, #tpu.memory_space<hbm>>) dst(%arg27 : memref<512xf32, #tpu.memory_space<vmem>>)
    %dma_wait3A_48 = arith.constant 0 : i32
    %dma_wait3A_49 = tpu.memref_slice %arg8[%dma_wait3A_48] : memref<8192000xf32, #tpu.memory_space<hbm>> -> memref<8192000xf32, #tpu.memory_space<hbm>>
    tpu.wait_indirect_dma semaphore(%arg38 : memref<!tpu.dma_semaphore, #tpu.memory_space<semaphore_mem>>) src(%dma_wait3A_49 : memref<8192000xf32, #tpu.memory_space<hbm>>) dst(%arg28 : memref<512xf32, #tpu.memory_space<vmem>>)
    %dma_wait3A_50 = arith.constant 0 : i32
    %dma_wait3A_51 = tpu.memref_slice %arg9[%dma_wait3A_50] : memref<8192000xf32, #tpu.memory_space<hbm>> -> memref<8192000xf32, #tpu.memory_space<hbm>>
    tpu.wait_indirect_dma semaphore(%arg38 : memref<!tpu.dma_semaphore, #tpu.memory_space<semaphore_mem>>) src(%dma_wait3A_51 : memref<8192000xf32, #tpu.memory_space<hbm>>) dst(%arg29 : memref<512xf32, #tpu.memory_space<vmem>>)
    %dma_wait3A_52 = arith.constant 0 : i32
    %dma_wait3A_53 = tpu.memref_slice %arg10[%dma_wait3A_52] : memref<8192000xf32, #tpu.memory_space<hbm>> -> memref<8192000xf32, #tpu.memory_space<hbm>>
    tpu.wait_indirect_dma semaphore(%arg38 : memref<!tpu.dma_semaphore, #tpu.memory_space<semaphore_mem>>) src(%dma_wait3A_53 : memref<8192000xf32, #tpu.memory_space<hbm>>) dst(%arg30 : memref<512xf32, #tpu.memory_space<vmem>>)
    %dma_start3A_54 = tpu.memref_slice %arg11[%mul3A_2] : memref<16384xf32, #tpu.memory_space<hbm>> -> memref<512xf32, #tpu.memory_space<hbm>>
    %dma_start3A_55 = tpu.memref_slice %arg11[%mul3A_2] : memref<16384xf32, #tpu.memory_space<hbm>> -> memref<512xf32, #tpu.memory_space<hbm>>
    tpu.enqueue_dma source(%arg27 : memref<512xf32, #tpu.memory_space<vmem>>) target(%dma_start3A_55 : memref<512xf32, #tpu.memory_space<hbm>>) target_semaphore(%arg36 : memref<!tpu.dma_semaphore, #tpu.memory_space<semaphore_mem>>)
    %dma_start3A_56 = tpu.memref_slice %arg13[%mul3A_2] : memref<16384xf32, #tpu.memory_space<hbm>> -> memref<512xf32, #tpu.memory_space<hbm>>
    %dma_start3A_57 = tpu.memref_slice %arg13[%mul3A_2] : memref<16384xf32, #tpu.memory_space<hbm>> -> memref<512xf32, #tpu.memory_space<hbm>>
    tpu.enqueue_dma source(%arg29 : memref<512xf32, #tpu.memory_space<vmem>>) target(%dma_start3A_57 : memref<512xf32, #tpu.memory_space<hbm>>) target_semaphore(%arg36 : memref<!tpu.dma_semaphore, #tpu.memory_space<semaphore_mem>>)
    %dma_start3A_58 = tpu.memref_slice %arg14[%mul3A_2] : memref<16384xf32, #tpu.memory_space<hbm>> -> memref<512xf32, #tpu.memory_space<hbm>>
    %dma_start3A_59 = tpu.memref_slice %arg14[%mul3A_2] : memref<16384xf32, #tpu.memory_space<hbm>> -> memref<512xf32, #tpu.memory_space<hbm>>
    tpu.enqueue_dma source(%arg30 : memref<512xf32, #tpu.memory_space<vmem>>) target(%dma_start3A_59 : memref<512xf32, #tpu.memory_space<hbm>>) target_semaphore(%arg36 : memref<!tpu.dma_semaphore, #tpu.memory_space<semaphore_mem>>)
    %scan3A_60 = arith.constant 0 : i32
    %scan3A_61 = arith.constant 0 : i32
    %scan3A_62 = arith.constant 32 : i32
    %scan3A_63 = arith.addi %scan3A_61, %scan3A_62 : i32
    %scan3A_64 = arith.constant 1 : i32
    %scan3A_65 = scf.for %scan3A_103 = %scan3A_61 to %scan3A_63 step %scan3A_64 iter_args(%scan3A_104 = %scan3A_60) -> (i32)  : i32 {
      %mul3A_105 = arith.constant 16 : i32
      %mul3A_106 = arith.muli %scan3A_103, %mul3A_105 : i32
      %get3A = arith.index_cast %mul3A_106 : i32 to index
      %get3A_107 = tpu.vector_load %arg28[%get3A] {strides = array<i32>} : memref<512xf32, #tpu.memory_space<vmem>>, vector<16xf32>,
      %get3A_108 = vector.shape_cast %get3A_107 : vector<16xf32> to vector<16xf32>
      %jit3A = arith.constant -2.000000e+00 : f32
      %jit3A_109 = arith.constant 2.000000e+00 : f32
      %max3A = vector.broadcast %jit3A : f32 to vector<16xf32>
      %max3A_110 = arith.maximumf %max3A, %get3A_108 : vector<16xf32>
      %min3A = vector.broadcast %jit3A_109 : f32 to vector<16xf32>
      %min3A_111 = arith.minimumf %min3A, %max3A_110 : vector<16xf32>
      %get3A_112 = arith.index_cast %mul3A_106 : i32 to index
      %get3A_113 = tpu.vector_load %arg27[%get3A_112] {strides = array<i32>} : memref<512xf32, #tpu.memory_space<vmem>>, vector<16xf32>,
      %get3A_114 = vector.shape_cast %get3A_113 : vector<16xf32> to vector<16xf32>
      %add3A_115 = arith.addf %get3A_114, %min3A_111 : vector<16xf32>
      %get3A_116 = arith.index_cast %mul3A_106 : i32 to index
      %get3A_117 = tpu.vector_load %arg29[%get3A_116] {strides = array<i32>} : memref<512xf32, #tpu.memory_space<vmem>>, vector<16xf32>,
      %get3A_118 = vector.shape_cast %get3A_117 : vector<16xf32> to vector<16xf32>
      %get3A_119 = arith.index_cast %mul3A_106 : i32 to index
      %get3A_120 = tpu.vector_load %arg24[%get3A_119] {strides = array<i32>} : memref<512xf32, #tpu.memory_space<vmem>>, vector<16xf32>,
      %get3A_121 = vector.shape_cast %get3A_120 : vector<16xf32> to vector<16xf32>
      %mul3A_122 = arith.mulf %get3A_118, %get3A_121 : vector<16xf32>
      %get3A_123 = arith.index_cast %mul3A_106 : i32 to index
      %get3A_124 = tpu.vector_load %arg30[%get3A_123] {strides = array<i32>} : memref<512xf32, #tpu.memory_space<vmem>>, vector<16xf32>,
      %get3A_125 = vector.shape_cast %get3A_124 : vector<16xf32> to vector<16xf32>
      %get3A_126 = arith.index_cast %mul3A_106 : i32 to index
      %get3A_127 = tpu.vector_load %arg32[%get3A_126] {strides = array<i32>} : memref<512xf32, #tpu.memory_space<vmem>>, vector<16xf32>,
      %get3A_128 = vector.shape_cast %get3A_127 : vector<16xf32> to vector<16xf32>
      %mul3A_129 = arith.mulf %get3A_125, %get3A_128 : vector<16xf32>
      %add3A_130 = arith.addf %mul3A_122, %mul3A_129 : vector<16xf32>
      %swap3A = arith.index_cast %mul3A_106 : i32 to index
      %swap3A_131 = tpu.vector_load %arg31[%swap3A] {strides = array<i32>} : memref<512xf32, #tpu.memory_space<vmem>>, vector<16xf32>,
      %swap3A_132 = vector.shape_cast %swap3A_131 : vector<16xf32> to vector<16xf32>
      %swap3A_133 = vector.shape_cast %min3A_111 : vector<16xf32> to vector<16xf32>
      tpu.vector_store %arg31[%swap3A], %swap3A_133 {strides = array<i32>} : memref<512xf32, #tpu.memory_space<vmem>>, vector<16xf32>,
      %swap3A_134 = arith.index_cast %mul3A_106 : i32 to index
      %swap3A_135 = tpu.vector_load %arg33[%swap3A_134] {strides = array<i32>} : memref<512xf32, #tpu.memory_space<vmem>>, vector<16xf32>,
      %swap3A_136 = vector.shape_cast %swap3A_135 : vector<16xf32> to vector<16xf32>
      %swap3A_137 = vector.shape_cast %add3A_115 : vector<16xf32> to vector<16xf32>
      tpu.vector_store %arg33[%swap3A_134], %swap3A_137 {strides = array<i32>} : memref<512xf32, #tpu.memory_space<vmem>>, vector<16xf32>,
      %swap3A_138 = arith.index_cast %mul3A_106 : i32 to index
      %swap3A_139 = tpu.vector_load %arg34[%swap3A_138] {strides = array<i32>} : memref<512xf32, #tpu.memory_space<vmem>>, vector<16xf32>,
      %swap3A_140 = vector.shape_cast %swap3A_139 : vector<16xf32> to vector<16xf32>
      %swap3A_141 = vector.shape_cast %add3A_130 : vector<16xf32> to vector<16xf32>
      tpu.vector_store %arg34[%swap3A_138], %swap3A_141 {strides = array<i32>} : memref<512xf32, #tpu.memory_space<vmem>>, vector<16xf32>,
      %mul3A_142 = arith.mulf %add3A_115, %add3A_130 : vector<16xf32>
      %swap3A_143 = arith.index_cast %mul3A_106 : i32 to index
      %swap3A_144 = tpu.vector_load %arg35[%swap3A_143] {strides = array<i32>} : memref<512xf32, #tpu.memory_space<vmem>>, vector<16xf32>,
      %swap3A_145 = vector.shape_cast %swap3A_144 : vector<16xf32> to vector<16xf32>
      %swap3A_146 = vector.shape_cast %mul3A_142 : vector<16xf32> to vector<16xf32>
      tpu.vector_store %arg35[%swap3A_143], %swap3A_146 {strides = array<i32>} : memref<512xf32, #tpu.memory_space<vmem>>, vector<16xf32>,
      %scan3A_147 = arith.constant 0 : i32
      scf.yield %scan3A_147 : i32
    }
    %scan3A_66 = arith.constant 32 : i32
    %dma_start3A_67 = tpu.memref_slice %arg12[%mul3A_2] : memref<16384xf32, #tpu.memory_space<hbm>> -> memref<512xf32, #tpu.memory_space<hbm>>
    %dma_start3A_68 = tpu.memref_slice %arg12[%mul3A_2] : memref<16384xf32, #tpu.memory_space<hbm>> -> memref<512xf32, #tpu.memory_space<hbm>>
    tpu.enqueue_dma source(%arg31 : memref<512xf32, #tpu.memory_space<vmem>>) target(%dma_start3A_68 : memref<512xf32, #tpu.memory_space<hbm>>) target_semaphore(%arg36 : memref<!tpu.dma_semaphore, #tpu.memory_space<semaphore_mem>>)
    %dma_start3A_69 = tpu.memref_slice %arg16[%mul3A_2] : memref<16384xf32, #tpu.memory_space<hbm>> -> memref<512xf32, #tpu.memory_space<hbm>>
    %dma_start3A_70 = tpu.memref_slice %arg16[%mul3A_2] : memref<16384xf32, #tpu.memory_space<hbm>> -> memref<512xf32, #tpu.memory_space<hbm>>
    tpu.enqueue_dma source(%arg33 : memref<512xf32, #tpu.memory_space<vmem>>) target(%dma_start3A_70 : memref<512xf32, #tpu.memory_space<hbm>>) target_semaphore(%arg36 : memref<!tpu.dma_semaphore, #tpu.memory_space<semaphore_mem>>)
    %dma_start3A_71 = tpu.memref_slice %arg17[%mul3A_2] : memref<16384xf32, #tpu.memory_space<hbm>> -> memref<512xf32, #tpu.memory_space<hbm>>
    %dma_start3A_72 = tpu.memref_slice %arg17[%mul3A_2] : memref<16384xf32, #tpu.memory_space<hbm>> -> memref<512xf32, #tpu.memory_space<hbm>>
    tpu.enqueue_dma source(%arg34 : memref<512xf32, #tpu.memory_space<vmem>>) target(%dma_start3A_72 : memref<512xf32, #tpu.memory_space<hbm>>) target_semaphore(%arg36 : memref<!tpu.dma_semaphore, #tpu.memory_space<semaphore_mem>>)
    %dma_start3A_73 = tpu.memref_slice %arg18[%mul3A_2] : memref<16384xf32, #tpu.memory_space<hbm>> -> memref<512xf32, #tpu.memory_space<hbm>>
    %dma_start3A_74 = tpu.memref_slice %arg18[%mul3A_2] : memref<16384xf32, #tpu.memory_space<hbm>> -> memref<512xf32, #tpu.memory_space<hbm>>
    tpu.enqueue_dma source(%arg35 : memref<512xf32, #tpu.memory_space<vmem>>) target(%dma_start3A_74 : memref<512xf32, #tpu.memory_space<hbm>>) target_semaphore(%arg36 : memref<!tpu.dma_semaphore, #tpu.memory_space<semaphore_mem>>)
    %dma_start3A_75 = arith.constant 0 : i32
    %dma_start3A_76 = tpu.memref_slice %arg20[%dma_start3A_75, %mul3A_2] : memref<1x16384xf32, #tpu.memory_space<hbm>> -> memref<1x512xf32, #tpu.memory_space<hbm>>
    %dma_start3A_77 = tpu.memref_squeeze %dma_start3A_76 : memref<1x512xf32, #tpu.memory_space<hbm>> -> memref<512xf32, #tpu.memory_space<hbm>>
    %dma_start3A_78 = tpu.memref_slice %arg20[%dma_start3A_75, %mul3A_2] : memref<1x16384xf32, #tpu.memory_space<hbm>> -> memref<1x512xf32, #tpu.memory_space<hbm>>
    %dma_start3A_79 = tpu.memref_squeeze %dma_start3A_78 : memref<1x512xf32, #tpu.memory_space<hbm>> -> memref<512xf32, #tpu.memory_space<hbm>>
    tpu.enqueue_dma source(%arg35 : memref<512xf32, #tpu.memory_space<vmem>>) target(%dma_start3A_79 : memref<512xf32, #tpu.memory_space<hbm>>) target_semaphore(%arg36 : memref<!tpu.dma_semaphore, #tpu.memory_space<semaphore_mem>>)
    %dma_wait3A_80 = tpu.memref_slice %arg15[%mul3A_2] : memref<16384xf32, #tpu.memory_space<hbm>> -> memref<512xf32, #tpu.memory_space<hbm>>
    %dma_wait3A_81 = tpu.memref_slice %arg15[%mul3A_2] : memref<16384xf32, #tpu.memory_space<hbm>> -> memref<512xf32, #tpu.memory_space<hbm>>
    tpu.wait_dma2 semaphore(%arg36 : memref<!tpu.dma_semaphore, #tpu.memory_space<semaphore_mem>>) src(%arg32 : memref<512xf32, #tpu.memory_space<vmem>>) dst(%dma_wait3A_81 : memref<512xf32, #tpu.memory_space<hbm>>)
    %dma_wait3A_82 = tpu.memref_slice %arg19[%mul3A_2] : memref<16384xf32, #tpu.memory_space<hbm>> -> memref<512xf32, #tpu.memory_space<hbm>>
    %dma_wait3A_83 = tpu.memref_slice %arg19[%mul3A_2] : memref<16384xf32, #tpu.memory_space<hbm>> -> memref<512xf32, #tpu.memory_space<hbm>>
    tpu.wait_dma2 semaphore(%arg36 : memref<!tpu.dma_semaphore, #tpu.memory_space<semaphore_mem>>) src(%arg24 : memref<512xf32, #tpu.memory_space<vmem>>) dst(%dma_wait3A_83 : memref<512xf32, #tpu.memory_space<hbm>>)
    %dma_wait3A_84 = tpu.memref_slice %arg11[%mul3A_2] : memref<16384xf32, #tpu.memory_space<hbm>> -> memref<512xf32, #tpu.memory_space<hbm>>
    %dma_wait3A_85 = tpu.memref_slice %arg11[%mul3A_2] : memref<16384xf32, #tpu.memory_space<hbm>> -> memref<512xf32, #tpu.memory_space<hbm>>
    tpu.wait_dma2 semaphore(%arg36 : memref<!tpu.dma_semaphore, #tpu.memory_space<semaphore_mem>>) src(%arg27 : memref<512xf32, #tpu.memory_space<vmem>>) dst(%dma_wait3A_85 : memref<512xf32, #tpu.memory_space<hbm>>)
    %dma_wait3A_86 = tpu.memref_slice %arg13[%mul3A_2] : memref<16384xf32, #tpu.memory_space<hbm>> -> memref<512xf32, #tpu.memory_space<hbm>>
    %dma_wait3A_87 = tpu.memref_slice %arg13[%mul3A_2] : memref<16384xf32, #tpu.memory_space<hbm>> -> memref<512xf32, #tpu.memory_space<hbm>>
    tpu.wait_dma2 semaphore(%arg36 : memref<!tpu.dma_semaphore, #tpu.memory_space<semaphore_mem>>) src(%arg29 : memref<512xf32, #tpu.memory_space<vmem>>) dst(%dma_wait3A_87 : memref<512xf32, #tpu.memory_space<hbm>>)
    %dma_wait3A_88 = tpu.memref_slice %arg14[%mul3A_2] : memref<16384xf32, #tpu.memory_space<hbm>> -> memref<512xf32, #tpu.memory_space<hbm>>
    %dma_wait3A_89 = tpu.memref_slice %arg14[%mul3A_2] : memref<16384xf32, #tpu.memory_space<hbm>> -> memref<512xf32, #tpu.memory_space<hbm>>
    tpu.wait_dma2 semaphore(%arg36 : memref<!tpu.dma_semaphore, #tpu.memory_space<semaphore_mem>>) src(%arg30 : memref<512xf32, #tpu.memory_space<vmem>>) dst(%dma_wait3A_89 : memref<512xf32, #tpu.memory_space<hbm>>)
    %dma_wait3A_90 = tpu.memref_slice %arg12[%mul3A_2] : memref<16384xf32, #tpu.memory_space<hbm>> -> memref<512xf32, #tpu.memory_space<hbm>>
    %dma_wait3A_91 = tpu.memref_slice %arg12[%mul3A_2] : memref<16384xf32, #tpu.memory_space<hbm>> -> memref<512xf32, #tpu.memory_space<hbm>>
    tpu.wait_dma2 semaphore(%arg36 : memref<!tpu.dma_semaphore, #tpu.memory_space<semaphore_mem>>) src(%arg31 : memref<512xf32, #tpu.memory_space<vmem>>) dst(%dma_wait3A_91 : memref<512xf32, #tpu.memory_space<hbm>>)
    %dma_wait3A_92 = tpu.memref_slice %arg16[%mul3A_2] : memref<16384xf32, #tpu.memory_space<hbm>> -> memref<512xf32, #tpu.memory_space<hbm>>
    %dma_wait3A_93 = tpu.memref_slice %arg16[%mul3A_2] : memref<16384xf32, #tpu.memory_space<hbm>> -> memref<512xf32, #tpu.memory_space<hbm>>
    tpu.wait_dma2 semaphore(%arg36 : memref<!tpu.dma_semaphore, #tpu.memory_space<semaphore_mem>>) src(%arg33 : memref<512xf32, #tpu.memory_space<vmem>>) dst(%dma_wait3A_93 : memref<512xf32, #tpu.memory_space<hbm>>)
    %dma_wait3A_94 = tpu.memref_slice %arg17[%mul3A_2] : memref<16384xf32, #tpu.memory_space<hbm>> -> memref<512xf32, #tpu.memory_space<hbm>>
    %dma_wait3A_95 = tpu.memref_slice %arg17[%mul3A_2] : memref<16384xf32, #tpu.memory_space<hbm>> -> memref<512xf32, #tpu.memory_space<hbm>>
    tpu.wait_dma2 semaphore(%arg36 : memref<!tpu.dma_semaphore, #tpu.memory_space<semaphore_mem>>) src(%arg34 : memref<512xf32, #tpu.memory_space<vmem>>) dst(%dma_wait3A_95 : memref<512xf32, #tpu.memory_space<hbm>>)
    %dma_wait3A_96 = tpu.memref_slice %arg18[%mul3A_2] : memref<16384xf32, #tpu.memory_space<hbm>> -> memref<512xf32, #tpu.memory_space<hbm>>
    %dma_wait3A_97 = tpu.memref_slice %arg18[%mul3A_2] : memref<16384xf32, #tpu.memory_space<hbm>> -> memref<512xf32, #tpu.memory_space<hbm>>
    tpu.wait_dma2 semaphore(%arg36 : memref<!tpu.dma_semaphore, #tpu.memory_space<semaphore_mem>>) src(%arg35 : memref<512xf32, #tpu.memory_space<vmem>>) dst(%dma_wait3A_97 : memref<512xf32, #tpu.memory_space<hbm>>)
    %dma_wait3A_98 = arith.constant 0 : i32
    %dma_wait3A_99 = tpu.memref_slice %arg20[%dma_wait3A_98, %mul3A_2] : memref<1x16384xf32, #tpu.memory_space<hbm>> -> memref<1x512xf32, #tpu.memory_space<hbm>>
    %dma_wait3A_100 = tpu.memref_squeeze %dma_wait3A_99 : memref<1x512xf32, #tpu.memory_space<hbm>> -> memref<512xf32, #tpu.memory_space<hbm>>
    %dma_wait3A_101 = tpu.memref_slice %arg20[%dma_wait3A_98, %mul3A_2] : memref<1x16384xf32, #tpu.memory_space<hbm>> -> memref<1x512xf32, #tpu.memory_space<hbm>>
    %dma_wait3A_102 = tpu.memref_squeeze %dma_wait3A_101 : memref<1x512xf32, #tpu.memory_space<hbm>> -> memref<512xf32, #tpu.memory_space<hbm>>
    tpu.wait_dma2 semaphore(%arg36 : memref<!tpu.dma_semaphore, #tpu.memory_space<semaphore_mem>>) src(%arg35 : memref<512xf32, #tpu.memory_space<vmem>>) dst(%dma_wait3A_102 : memref<512xf32, #tpu.memory_space<hbm>>)
    return
  }
}

</mosaic_0001>

<sc_bundles>
// kernel: _sc_gather.3.cloned.1.call-start
scs
__scs_entry_jumppad:
0x0: {  	(pc) =	sbr.rel $0x88, $3  }
0x1: {  	(tag) =	ssettag $0x0;
	lr =	simm.s32 $0x1  }
0x2: {  	[smem:$0x3F98] =	sst lr;
	_ =	strace $0xD0000000  }
0x3: {  	_ = 	snop  }
0x4: {  	_ = 	snop  }
0x5: {  	_ = 	snop  }
0x6: {  	_ = 	snop  }
0x7: {  	_ = 	snop  }
__scs_overlays_trampoline_lowered:
0x8: {  	[smem:$0x3FA7] =	sst s0  }
0x9: {  	[smem:$0x3FA8] =	sst s1  }
0xa: {  	[smem:$0x3FA9] =	sst s2  }
0xb: {  	[smem:$0x3FAA] =	sst s3  }
0xc: {  	[smem:$0x3FAB] =	sst s4  }
0xd: {  	[smem:$0x3FAC] =	sst s5  }
0xe: {  	[smem:$0x3FAD] =	sst s6  }
0xf: {  	[smem:$0x3FAE] =	sst s7  }
0x10: {  	[smem:$0x3FAF] =	sst s8  }
0x11: {  	[smem:$0x3FB0] =	sst s9;
	s0 =	simm.s32 @!p0 $0x0  }
0x12: {  	s1 =	sld [smem:$0x3F96];
	s0 =	simm.s32 @p0 $0x1  }
0x13: {  	[smem:$0x3FB1] =	sst s0;
	s0 =	simm.s32 @!p1 $0x0  }
0x14: {  	s2 =	sld [smem:$0x3F95];
	s0 =	simm.s32 @p1 $0x1  }
0x15: {  	[smem:$0x3FB2] =	sst s0;
	s0 =	simm.s32 @!p2 $0x0  }
0x16: {  	s3 =	sld [smem:$0x3FDB];
	s0 =	simm.s32 @p2 $0x1  }
0x17: {  	s4 =	simm.s32 $0x1BF5;
	[smem:$0x3FB4] =	sst s0  }
0x18: {  	s0 =	sld [smem:$0x3F97];
	_ =	swait.ge [sflag:s4], $0x0  }
0x19: {  	s7 =	sld [smem:$0x3F98]  }
0x1a: {  	s8 =	sadd.s32 $0xFFFFE003, lr  }
0x1b: {  	s9 =	sadd.s32 $0xFFFFFEF7, lr;
	s5 =	simm.s32 $0xFFFFFFFF;
	p2 =	slt.u32 s8, $0xFFFFF086  }
0x1c: {  	p1 =	slt.u32 s9, $0xF7A;
	s5 =	simm.s32 @!p2 $0x0  }
0x1d: {  	s5 =	simm.s32 @p1 $0x1;
	p0 =	seq.s32 s7, s2  }
0x1e: {  	s7 =	smul.u32 @!p0 $0xF7A, s2;
	p2 =	seq.s32 @!p0 s5, $0x0  }
0x1f: {  	s9 =	smul.u32 $0xF7A, s1;
	s8 =	simm.s32 @!p0 $0x1BF5;
	p2 =	por !p2, p0  }
0x20: {  	[sflag:s8] =	ssyncset.s32 @!p0 $0xFFFFF086;
	s6 =	sadd.s32 @!p0 s3, s7;
	s7 =	simm.s32 @!p0 $0x108  }
0x21: {  	s3 =	sadd.s32 s3, s9;
	s6 =	sadd.s32 @!p0 $0x88, s6;
	s7 =	simm.s32 @p2 $0x1082  }
0x22: {  	[simem:s7], [sflag:s8] =	dma.local @!p0 [hbm:s6], $0xF7A  }
0x23: {  	s9 =	sor.u32 $0xD0000000, s2;
	s6 =	simm.s32 $0x108;
	_ =	swait.ge @!p0 [sflag:s8], $0x0  }
0x24: {  	s3 =	sadd.s32 $0x88, s3;
	s6 =	simm.s32 @!p1 $0x1082;
	[sflag:s4] =	ssyncset.s32 $0xFFFFF086  }
0x25: {  	[simem:s6], [sflag:s4] =	dma.local [hbm:s3], $0xF7A  }
0x26: {  	[smem:$0x3F98] =	sst s1;
	(tag) =	ssettag s2;
	_ =	strace s9  }
0x27: {  	s1 =	sld [smem:$0x3FA8]  }
0x28: {  	s2 =	sld [smem:$0x3FA9]  }
0x29: {  	s4 =	sld [smem:$0x3FAB]  }
0x2a: {  	p0 =	seq.s32 s5, $0x0;
	s5 =	sld [smem:$0x3FAC]  }
0x2b: {  	s6 =	sld [smem:$0x3FAD]  }
0x2c: {  	s7 =	sld [smem:$0x3FAE]  }
0x2d: {  	s3 =	simm.s32 $0x108;
	s8 =	sld [smem:$0x3FAF]  }
0x2e: {  	s3 =	simm.s32 @!p0 $0x1082;
	s9 =	sld [smem:$0x3FB0]  }
0x2f: {  	lr =	sadd.s32 s0, s3;
	s0 =	sld [smem:$0x3FA7]  }
0x30: {  	s3 =	sld [smem:$0x3FAA]  }
0x31: {  	[smem:$0x3FB3] =	sst s10  }
0x32: {  	s10 =	sld [smem:$0x3FB1];
	_ =	sdelay $0x3  }
0x33: {  	p0 =	seq.s32 s10, $0x1;
	s10 =	sld [smem:$0x3FB3];
	_ =	sdelay $0x3  }
0x34: {  	[smem:$0x3FB3] =	sst s10  }
0x35: {  	s10 =	sld [smem:$0x3FB2];
	_ =	sdelay $0x3  }
0x36: {  	p1 =	seq.s32 s10, $0x1;
	s10 =	sld [smem:$0x3FB3];
	_ =	sdelay $0x3  }
0x37: {  	[smem:$0x3FB3] =	sst s10  }
0x38: {  	s10 =	sld [smem:$0x3FB4]  }
0x39: {  	_ = 	snop;
	(pc) =	sbr.ind lr, $3  }
0x3a: {  	_ = 	snop  }
0x3b: {  	_ = 	snop  }
0x3c: {  	p2 =	seq.s32 s10, $0x1;
	s10 =	sld [smem:$0x3FB3]  }
0x3d: {  	_ =	shalt  }
0x3e: {  	_ =	shalt  }
0x3f: {  	_ =	shalt  }
0x40: {  	_ =	shalt  }
0x41: {  	_ =	shalt  }
0x42: {  	_ =	shalt  }
0x43: {  	_ =	shalt  }
0x44: {  	_ =	shalt  }
0x45: {  	_ =	shalt  }
0x46: {  	_ =	shalt  }
0x47: {  	_ =	shalt  }
0x48: {  	_ =	shalt  }
0x49: {  	_ =	shalt  }
0x4a: {  	_ =	shalt  }
0x4b: {  	_ =	shalt  }
0x4c: {  	_ =	shalt  }
0x4d: {  	_ =	shalt  }
0x4e: {  	_ =	shalt  }
0x4f: {  	_ =	shalt  }
0x50: {  	_ =	shalt  }
0x51: {  	_ =	shalt  }
0x52: {  	_ =	shalt  }
0x53: {  	_ =	shalt  }
0x54: {  	_ =	shalt  }
0x55: {  	_ =	shalt  }
0x56: {  	_ =	shalt  }
0x57: {  	_ =	shalt  }
0x58: {  	_ =	shalt  }
0x59: {  	_ =	shalt  }
0x5a: {  	_ =	shalt  }
0x5b: {  	_ =	shalt  }
0x5c: {  	_ =	shalt  }
0x5d: {  	_ =	shalt  }
0x5e: {  	_ =	shalt  }
0x5f: {  	_ =	shalt  }
0x60: {  	_ =	shalt  }
0x61: {  	_ =	shalt  }
0x62: {  	_ =	shalt  }
0x63: {  	_ =	shalt  }
0x64: {  	_ =	shalt  }
0x65: {  	_ =	shalt  }
0x66: {  	_ =	shalt  }
0x67: {  	_ =	shalt  }
0x68: {  	_ =	shalt  }
0x69: {  	_ =	shalt  }
0x6a: {  	_ =	shalt  }
0x6b: {  	_ =	shalt  }
0x6c: {  	_ =	shalt  }
0x6d: {  	_ =	shalt  }
0x6e: {  	_ =	shalt  }
0x6f: {  	_ =	shalt  }
0x70: {  	_ =	shalt  }
0x71: {  	_ =	shalt  }
0x72: {  	_ =	shalt  }
0x73: {  	_ =	shalt  }
0x74: {  	_ =	shalt  }
0x75: {  	_ =	shalt  }
0x76: {  	_ =	shalt  }
0x77: {  	_ =	shalt  }
0x78: {  	_ =	shalt  }
0x79: {  	_ =	shalt  }
0x7a: {  	_ =	shalt  }
0x7b: {  	_ =	shalt  }
0x7c: {  	_ =	shalt  }
0x7d: {  	_ =	shalt  }
0x7e: {  	_ =	shalt  }
0x7f: {  	_ =	shalt  }
0x80: {  	_ =	shalt  }
0x81: {  	_ =	shalt  }
0x82: {  	_ =	shalt  }
0x83: {  	_ =	shalt  }
0x84: {  	_ =	shalt  }
0x85: {  	_ =	shalt  }
0x86: {  	_ =	shalt  }
0x87: {  	_ =	shalt  }
.Lfunc_end0:
.L_simem_size_0:
called_computation_lowered:
.L_overlay_start_0:
0x88: {  	s2 =	sld [smem:$0x3FD9]  }
0x89: {  	s3 =	sld [smem:$0x3FFE];
	_ =	sdelay $0x1  }
0x8a: {  	s1 =	srdreg.scid  }
0x8b: {  	s0 =	sand.u32 $0x1, s1  }
0x8c: {  	s28 =	sshll.u32 s0, $0xA;
	s2 =	sadd.s32 s3, s2  }
0x8d: {  	s2 =	sadd.s32 s2, s28  }
0x8e: {  	[smem:$0x3FBF] =	sst s2  }
0x8f: {  	_ = 	snop  }
0x90: {  	s2 =	sld [smem:$0x3FC9]  }
0x91: {  	s3 =	sld [smem:$0x3FC8]  }
0x92: {  	s4 =	sld [smem:$0x3FC7]  }
0x93: {  	s5 =	sld [smem:$0x3FC6]  }
0x94: {  	s6 =	sld [smem:$0x3FC5]  }
0x95: {  	s7 =	sld [smem:$0x3FC4]  }
0x96: {  	s16 =	sld [smem:$0x3FD0]  }
0x97: {  	s8 =	sld [smem:$0x3FC3]  }
0x98: {  	s9 =	sld [smem:$0x3FC2]  }
0x99: {  	s20 =	simm.s32 $0xA;
	s21 =	simm.s32 $0x10;
	s10 =	sld [smem:$0x3FC1]  }
0x9a: {  	[smem:s21], [sflag:s20] =	dma.local [hbm:s16], $0x1  }
0x9b: {  	_ =	swait.eq [sflag:s20], $0x1  }
0x9c: {  	s11 =	sld [smem:$0x10]  }
0x9d: {  	s12 =	sld [smem:$0x11]  }
0x9e: {  	s13 =	sld [smem:$0x12]  }
0x9f: {  	s14 =	sld [smem:$0x13]  }
0xa0: {  	s15 =	sld [smem:$0x14]  }
0xa1: {  	s17 =	sld [smem:$0x15];
	[sflag:s20] =	ssyncset.done $0x0  }
0xa2: {  	s18 =	sld [smem:$0x16];
	[sflag:s20] =	ssyncadd.s32 $0xFFFFFFFF  }
0xa3: {  	s16 =	sadd.s32 $0x1, s16;
	s19 =	sld [smem:$0x17]  }
0xa4: {  	[smem:s21], [sflag:s20] =	dma.local [hbm:s16], $0x1  }
0xa5: {  	_ =	swait.eq [sflag:s20], $0x1  }
0xa6: {  	[sflag:s20] =	ssyncset.done $0x0  }
0xa7: {  	s21 =	sld [smem:$0x10];
	[sflag:s20] =	ssyncadd.s32 $0xFFFFFFFF  }
0xa8: {  	s20 =	sld [smem:$0x11];
	(tm) =	ssettm $0x1  }
0xa9: {  	s29 =	sld [smem:$0x3FFB];
	_ =	sdelay $0x3  }
0xaa: {  	_ =	strace s29  }
0xab: {  	s16 =	sld [smem:$0x3FFC];
	_ =	sdelay $0x3  }
0xac: {  	_ =	strace s16  }
0xad: {  	s16 =	sld [smem:$0x3FFD];
	_ =	sdelay $0x3  }
0xae: {  	_ =	strace s16  }
0xaf: {  	_ =	strace $0x8FFFFFFF  }
0xb0: {  	s30 =	sld [smem:$0x3FDB];
	_ =	sdelay $0x1  }
0xb1: {  	s22 =	simm.s32 $_scs_section_size  }
0xb2: {  	s23 =	simm.s32 $_size__tile_task_arg_handler_lowered;
	s24 =	simm.s32 $_tile_task_arg_handler_lowered  }
0xb3: {  	s26 =	simm.s32 $0x1BFF;
	s25 =	sshll.u32 s24, $0x1;
	s22 =	sadd.s32 s22, s30  }
0xb4: {  	s31 =	sshll.u32 s23, $0x1;
	s23 =	sadd.s32 s25, s22;
	s25 =	simm.s32 $0x60  }
0xb5: {  	[timem:s25], [sflag:s26] =	dma.local [hbm:s23], s31  }
0xb6: {  	_ =	swait.ge [sflag:s26], s31  }
0xb7: {  	s28 =	simm.s32 $_tile_overlayer_lowered;
	s16 =	ssub.s32 $0x0, s31;
	[sflag:s26] =	ssyncset.done $0x0  }
0xb8: {  	s29 =	simm.s32 $_size__tile_overlayer_lowered;
	s23 =	sshll.u32 s28, $0x1;
	[sflag:s26] =	ssyncadd.s32 s16  }
0xb9: {  	s30 =	sshll.u32 s29, $0x1;
	s23 =	sadd.s32 s23, s22;
	s16 =	simm.s32 $0x0  }
0xba: {  	[timem:s16], [sflag:s26] =	dma.local [hbm:s23], s30  }
0xbb: {  	_ =	swait.ge [sflag:s26], s30  }
0xbc: {  	s31 =	ssub.s32 $0x0, s30;
	[sflag:s26] =	ssyncset.done $0x0  }
0xbd: {  	[sflag:s26] =	ssyncadd.s32 s31;
	_ =	sdelay $0x1  }
0xbe: {  	s24 =	simm.s32 $0x1B8B  }
0xbf: {  	_ =	swait.ge [sflag:s24], $0x1  }
0xc0: {  	[sflag:s24] =	ssyncset.done $0x0  }
0xc1: {  	s25 =	simm.s32 $0x1B8E;
	[sflag:s24] =	ssyncadd.s32 $0xFFFFFFFF  }
0xc2: {  	s26 =	simm.s32 $execute0_lowered;
	[smem:$0x3FD2] =	sst s25  }
0xc3: {  	s23 =	sshll.u32 s26, $0x1;
	_ =	strace $0x80000046;
	[dreg:$0x1] =	wrdreg $0xFFFFFFFF  }
0xc4: {  	s28 =	simm.s32 $_size_execute0_lowered;
	s22 =	sadd.s32 s22, s23;
	[dreg:$0x0] =	wrdreg $0x0  }
0xc5: {  	s23 =	sshll.u32 s28, $0x1;
	[dreg:$0x2] =	wrdreg s22  }
0xc6: {  	[dreg:$0x3] =	wrdreg s23  }
0xc7: {  	[dreg:$0x4] =	wrdreg $0xC0  }
0xc8: {  	_ =	task [dreg:s16], $0x5FFFF  }
0xc9: {  	[dreg:$0x1] =	wrdreg $0xFFFFFFFF  }
0xca: {  	[dreg:$0x0] =	wrdreg $0x30  }
0xcb: {  	[dreg:$0x2] =	wrdreg $0x0  }
0xcc: {  	[dreg:$0x3] =	wrdreg s17  }
0xcd: {  	[dreg:$0x4] =	wrdreg s18  }
0xce: {  	[dreg:$0x5] =	wrdreg s19  }
0xcf: {  	[dreg:$0x6] =	wrdreg s21  }
0xd0: {  	[dreg:$0x7] =	wrdreg s20  }
0xd1: {  	[dreg:$0x8] =	wrdreg $0x9  }
0xd2: {  	_ =	task [dreg:s16], $0x9FFFF  }
0xd3: {  	[dreg:$0x1] =	wrdreg $0xFFFFFFFF  }
0xd4: {  	[dreg:$0x0] =	wrdreg $0x60  }
0xd5: {  	[dreg:$0x2] =	wrdreg s2  }
0xd6: {  	[dreg:$0x3] =	wrdreg s3  }
0xd7: {  	[dreg:$0x4] =	wrdreg s4  }
0xd8: {  	[dreg:$0x5] =	wrdreg s5  }
0xd9: {  	[dreg:$0x6] =	wrdreg s6  }
0xda: {  	[dreg:$0x7] =	wrdreg s7  }
0xdb: {  	[dreg:$0x8] =	wrdreg s8  }
0xdc: {  	[dreg:$0x9] =	wrdreg s9  }
0xdd: {  	[dreg:$0xa] =	wrdreg s10  }
0xde: {  	[dreg:$0xb] =	wrdreg s11  }
0xdf: {  	[dreg:$0xc] =	wrdreg s12  }
0xe0: {  	[dreg:$0xd] =	wrdreg s13  }
0xe1: {  	[dreg:$0xe] =	wrdreg s14  }
0xe2: {  	[dreg:$0xf] =	wrdreg s15  }
0xe3: {  	_ =	task.clear_ibuf [dreg:s16], $0x10FFFF;
	_ =	strace $0x90000046  }
0xe4: {  	s29 =	simm.s32 $0x9;
	_ =	strace $0x80000048  }
0xe5: {  	_ =	swait.ge [sflag:s29], $0x1  }
0xe6: {  	[sflag:s29] =	ssyncadd.s32 $0xFFFFFFFF  }
0xe7: {  	_ =	strace $0x90000048  }
0xe8: {  	_ =	sfence  }
0xe9: {  	s30 =	sld [smem:$0x0];
	_ =	sdelay $0x2  }
0xea: {  	s31 =	sshll.u32 s1, $0xD;
	s1 =	sshrl.u32 s1, $0x2  }
0xeb: {  	s3 =	sand.u32 $0x4000, s31;
	s1 =	sadd.s32 s1, s30  }
0xec: {  	s0 =	sor.u32 s3, s0;
	s1 =	sshll.u32 s1, $0x11  }
0xed: {  	s0 =	sor.u32 s1, s0  }
0xee: {  	s0 =	sadd.s32 $0x8F2B, s0  }
0xef: {  	[sflag:s0] =	ssyncadd.remote.s32 $0x1  }
0xf0: {  	_ =	sfence.sel $0xFFFF  }
0xf1: {  	[dreg:$0x0] =	wrdreg $0xFFFFFFFF;
	(pc) =	sbr.abs _section_cstart, $3  }
0xf2: {  	[dreg:$0x1] =	wrdreg $0xFFFFFFFF  }
0xf3: {  	_ =	task.clear_ibuf [dreg:s16], $0x2FFFF;
	_ =	strace $0x9FFFFFFF  }
0xf4: {  	(tm) =	ssettm $0x7FFFFFFF  }
0xf5: {  	_ =	shalt  }
tec
_tile_task_arg_handler_lowered:
.L_overlay_start_1:
0x0: {  	(tag) =	ssettag $0x1  }
0x1: {  	s0 =	rddreg [dreg:$0x0]  }
0x2: {  	s1 =	rddreg [dreg:$0x1]  }
0x3: {  	s2 =	rddreg [dreg:$0x2]  }
0x4: {  	s3 =	rddreg [dreg:$0x3]  }
0x5: {  	s4 =	rddreg [dreg:$0x4]  }
0x6: {  	s5 =	rddreg [dreg:$0x5]  }
0x7: {  	s6 =	rddreg [dreg:$0x6]  }
0x8: {  	s7 =	rddreg [dreg:$0x7]  }
0x9: {  	s8 =	rddreg [dreg:$0x8]  }
0xa: {  	s9 =	rddreg [dreg:$0x9]  }
0xb: {  	s10 =	rddreg [dreg:$0xa]  }
0xc: {  	s11 =	rddreg [dreg:$0xb]  }
0xd: {  	s12 =	rddreg [dreg:$0xc]  }
0xe: {  	s13 =	rddreg [dreg:$0xd]  }
0xf: {  	[smem:s0] =	sst s1  }
0x10: {  	[smem:s0+$0x1] =	sst s2  }
0x11: {  	[smem:s0+$0x2] =	sst s3  }
0x12: {  	[smem:s0+$0x3] =	sst s4  }
0x13: {  	[smem:s0+$0x4] =	sst s5  }
0x14: {  	[smem:s0+$0x5] =	sst s6  }
0x15: {  	[smem:s0+$0x6] =	sst s7  }
0x16: {  	[smem:s0+$0x7] =	sst s8  }
0x17: {  	[smem:s0+$0x8] =	sst s9  }
0x18: {  	[smem:s0+$0x9] =	sst s10  }
0x19: {  	[smem:s0+$0xA] =	sst s11  }
0x1a: {  	[smem:s0+$0xB] =	sst s12  }
0x1b: {  	[smem:s0+$0xC] =	sst s13;
	_ =	shalt  }
.Lfunc_end2:
execute0_lowered:
.L_overlay_start_2:
0x1c: {  	(tag) =	ssettag $0x2  }
0x1d: {  	s0 =	rddreg [dreg:$0x0]  }
0x1e: {  	s1 =	rddreg [dreg:$0x1]  }
0x1f: {  	s2 =	rddreg [dreg:$0x2]  }
0x20: {  	s3 =	rddreg [dreg:$0x3]  }
0x21: {  	s5 =	rddreg [dreg:$0x4]  }
0x22: {  	s6 =	rddreg [dreg:$0x9]  }
0x23: {  	s7 =	rddreg [dreg:$0xa]  }
0x24: {  	s8 =	rddreg [dreg:$0xb]  }
0x25: {  	s9 =	rddreg [dreg:$0xc]  }
0x26: {  	s10 =	rddreg [dreg:$0xd];
	s4 =	simm.s32 $0x0  }
0x27: {  	s11 =	srdreg.scid;
	[smem:$0x7FF] =	sst s4  }
0x28: {  	s14 =	stileid.u32;
	s28 =	simm.s32 $0x1;
	s18 =	sld [smem:$0x0]  }
0x29: {  	s29 =	simm.s32 $0xA00;
	s30 =	simm.s32 $0xC00;
	s19 =	sld [smem:$0x1]  }
0x2a: {  	s31 =	simm.s32 $0x1C00;
	s11 =	sand.u32 $0x1, s11;
	s20 =	sld [smem:$0x2]  }
0x2b: {  	s14 =	sshll.u32 s14, $0x7;
	s13 =	sld [smem:$0x3];
	s12 =	ssub.s32 $0x2, s11  }
0x2c: {  	s21 =	sld [smem:$0x4];
	s11 =	sshll.u32 s11, $0x6;
	s16 =	sshrl.u32 s12, $0x1  }
0x2d: {  	s15 =	sld [smem:$0x5];
	s22 =	sor.u32 s11, s14;
	s23 =	ssub.s32 s12, s16  }
0x2e: {  	s0 =	sadd.s32 s0, s22;
	s17 =	sadd.s32 s1, s22;
	s24 =	sadd.s32 s2, s22  }
0x2f: {  	s25 =	sadd.s32 s3, s22;
	s26 =	sadd.s32 s5, s22;
	s12 =	sadd.s32 s10, s22  }
0x30: {  	s14 =	sadd.s32 s6, s22;
	s16 =	sadd.s32 s9, s22;
	s5 =	simm.s32 $0x1000  }
0x31: {  	s6 =	simm.s32 $0x1200;
	s2 =	simm.s32 $0x3;
	[dreg:$0xe] =	wrdreg s15  }
0x32: {  	s1 =	simm.s32 $0x0;
	_ =	strace $0x80000047;
	[dreg:$0xf] =	wrdreg s0  }
0x33: {  	s13 =	sadd.s32 s13, s22;
	s15 =	sadd.s32 s8, s22;
	[dreg:$0x10] =	wrdreg s17  }
0x34: {  	s18 =	sadd.s32 s18, s22;
	s19 =	sadd.s32 s19, s22;
	[dreg:$0x11] =	wrdreg s24  }
0x35: {  	s20 =	sadd.s32 s20, s22;
	s21 =	sadd.s32 s21, s22;
	[dreg:$0x12] =	wrdreg s25  }
0x36: {  	[dreg:$0x13] =	wrdreg s26;
	s17 =	sadd.s32 s7, s22;
	s22 =	smax.u32 s23, $0x1  }
0x37: {  	s23 =	simm.s32 $0x200;
	s25 =	simm.s32 $0x600;
	s0 =	simm.s32 $0x2  }
.LBB3_1:
0x38: {  	s3 =	rddreg [dreg:$0xf]  }
0x39: {  	[tilespmem:s4], [sflag:$0x1] =	stream.linear.gather [hbm4b:s3+s4], $0x200, $0x38;
	[tilespmem:$0x1E00] =	vst v63  }
0x3a: {  	s9 =	rddreg [dreg:$0x10]  }
0x3b: {  	[tilespmem:s23], [sflag:$0x1] =	stream.linear.gather [hbm4b:s9+s4], $0x200, $0x38;
	[tilespmem:$0x1E00] =	vst v63  }
0x3c: {  	s10 =	rddreg [dreg:$0x11];
	s7 =	simm.s32 $0x400  }
0x3d: {  	[tilespmem:s7], [sflag:$0x1] =	stream.linear.gather [hbm4b:s10+s4], $0x200, $0x38;
	[tilespmem:$0x1E00] =	vst v63  }
0x3e: {  	s11 =	rddreg [dreg:$0x12]  }
0x3f: {  	[tilespmem:s25], [sflag:$0x2] =	stream.linear.gather [hbm4b:s11+s4], $0x200, $0x38;
	[tilespmem:$0x1E00] =	vst v63  }
0x40: {  	s24 =	rddreg [dreg:$0x13];
	s26 =	simm.s32 $0x800  }
0x41: {  	[tilespmem:s26], [sflag:$0x2] =	stream.linear.gather [hbm4b:s24+s4], $0x200, $0x38;
	[tilespmem:$0x1E00] =	vst v63  }
0x42: {  	_ =	swait.ge [sflag:s28], $0x200  }
0x43: {  	[sflag:s28] =	ssyncset.done $0x0  }
0x44: {  	[sflag:s28] =	ssyncadd.s32 $0xFFFFFE00  }
0x45: {  	_ =	swait.ge [sflag:s28], $0x200  }
0x46: {  	[sflag:s28] =	ssyncset.done $0x0  }
0x47: {  	[sflag:s28] =	ssyncadd.s32 $0xFFFFFE00  }
0x48: {  	_ =	swait.ge [sflag:s28], $0x200  }
0x49: {  	[sflag:s28] =	ssyncset.done $0x0  }
0x4a: {  	s3 =	simm.s32 $0x0;
	[sflag:s28] =	ssyncadd.s32 $0xFFFFFE00  }
0x4b: {  	v0 =	vld [tilespmem:s3+$0x0]  }
0x4c: {  	v1 =	vld [tilespmem:s3+$0x200];
	_ =	sdelay $0x1  }
0x4d: {  	s7 =	simm.s32 $0x40;
	v2 =	vld [tilespmem:s3+$0x400]  }
.LBB3_2:
0x4e: {  	p0 =	sne.s32 s7, $0x7C0  }
.Ltmp0:
0x4f: {  	s8 =	sshra.s32 s7, $0x2;
	(pc) =	sbr.rel @p0 .LBB3_2-.Ltmp0, $4  }
0x50: {  	s7 =	sadd.s32 $0x40, s7;
	v3 =	vshll.u32 v0, $0xD;
	v0 =	vld [tilespmem:s8+$0x0];
	v4 =	vshll.u32 v1, $0x7  }
0x51: {  	v1 =	vld [tilespmem:s8+$0x200];
	v3 =	vadd.s32 v3, v4  }
0x52: {  	v3 =	vadd.s32 v2, v3  }
0x53: {  	v2 =	vld [tilespmem:s8+$0x400];
	[tilespmem:s3+$0xA00] =	vst v3;
	s3 =	smov.u32 s8  }
0x54: {  	_ =	sdelay $0x1  }
0x55: {  	v0 =	vshll.u32 v0, $0xD;
	v1 =	vshll.u32 v1, $0x7  }
0x56: {  	v0 =	vadd.s32 v0, v1  }
0x57: {  	v0 =	vadd.s32 v2, v0  }
0x58: {  	s10 =	rddreg [dreg:$0x5];
	[tilespmem:s3+$0xA00] =	vst v0  }
0x59: {  	[tilespmem:s30], [sflag:$0x3] =	stream.indirect.gather [hbm4b:s10+s23], $0x1, s29, s23, $0xb8;
	[tilespmem:$0x1E00] =	vst v63  }
0x5a: {  	s11 =	rddreg [dreg:$0x6];
	s7 =	simm.s32 $0xE00  }
0x5b: {  	[tilespmem:s7], [sflag:$0x3] =	stream.indirect.gather [hbm4b:s11+s23], $0x1, s29, s23, $0xb8;
	[tilespmem:$0x1E00] =	vst v63  }
0x5c: {  	s24 =	rddreg [dreg:$0x7]  }
0x5d: {  	[tilespmem:s5], [sflag:$0x3] =	stream.indirect.gather [hbm4b:s24+s23], $0x1, s29, s23, $0xb8;
	[tilespmem:$0x1E00] =	vst v63  }
0x5e: {  	s26 =	rddreg [dreg:$0x8]  }
0x5f: {  	[tilespmem:s6], [sflag:$0x3] =	stream.indirect.gather [hbm4b:s26+s23], $0x1, s29, s23, $0xb8;
	[tilespmem:$0x1E00] =	vst v63  }
0x60: {  	_ =	swait.ge [sflag:s0], $0x200  }
0x61: {  	[sflag:s0] =	ssyncset.done $0x0  }
0x62: {  	[sflag:s0] =	ssyncadd.s32 $0xFFFFFE00  }
0x63: {  	_ =	swait.ge [sflag:s0], $0x200  }
0x64: {  	[sflag:s0] =	ssyncset.done $0x0  }
0x65: {  	s26 =	simm.s32 $0x0;
	[sflag:s0] =	ssyncadd.s32 $0xFFFFFE00  }
0x66: {  	v3 =	vld [tilespmem:s26+$0x800];
	_ =	sdelay $0x4  }
0x67: {  	s3 =	simm.s32 $0x10;
	v0 =	vand.u32 $0x7FFFFFFF, v3  }
0x68: {  	v1 =	vld [tilespmem:s3+$0x800];
	v0 =	vmul.f32 $-2.000000000e+00, v0;
	_ =	sdelay $0x1  }
0x69: {  	v0 =	vmul.f32 $1.442695020e+00, v0  }
0x6a: {  	s24 =	simm.s32 $0x20  }
0x6b: {  	(erf) = vpow2.f32 v0;
	v0 =	vld [tilespmem:s24+$0x800]  }
0x6c: {  	v2 =	vand.u32 $0x7FFFFFFF, v1  }
0x6d: {  	v2 =	vmul.f32 $-2.000000000e+00, v2;
	_ =	sdelay $0x1  }
0x6e: {  	v2 =	vmul.f32 $1.442695020e+00, v2  }
0x6f: {  	v4 =	vand.u32 $0x7FFFFFFF, v0  }
0x70: {  	s8 =	simm.s32 $0x30;
	(erf) = vpow2.f32 v2;
	v4 =	vmul.f32 $-2.000000000e+00, v4  }
0x71: {  	v2 =	vld [tilespmem:s8+$0x800]  }
0x72: {  	v4 =	vmul.f32 $1.442695020e+00, v4  }
0x73: {  	s7 =	simm.s32 $0x40;
	v5 =	vpop (erf)  }
0x74: {  	v6 =	vadd.f32 $1.000000000e+00, v5;
	(erf) = vpow2.f32 v4;
	v4 =	vld [tilespmem:s7+$0x800];
	_ =	sdelay $0x1  }
0x75: {  	(erf) = vrcp.f32 v6;
	v6 =	vand.u32 $0x7FFFFFFF, v2  }
0x76: {  	v7 =	vmul.f32 $-2.000000000e+00, v6;
	_ =	sdelay $0x1  }
0x77: {  	v8 =	vand.u32 $0x7FFFFFFF, v4;
	v6 =	vpop (erf);
	v7 =	vmul.f32 $1.442695020e+00, v7  }
0x78: {  	v8 =	vmul.f32 $-2.000000000e+00, v8;
	v9 =	vadd.f32 $1.000000000e+00, v6  }
0x79: {  	(erf) = vpow2.f32 v7  }
0x7a: {  	s9 =	simm.s32 $0x50;
	v11 =	vmul.f32 $1.442695020e+00, v8;
	(erf) = vrcp.f32 v9  }
0x7b: {  	v10 =	vsub.f32 $1.000000000e+00, v5;
	v5 =	vld [tilespmem:s9+$0x800]  }
0x7c: {  	v7 =	vpop (erf);
	(erf) = vpow2.f32 v11  }
0x7d: {  	v8 =	vpop (erf)  }
0x7e: {  	v9 =	vadd.f32 $1.000000000e+00, v7;
	v8 =	vmul.f32 v8, v10  }
0x7f: {  	s10 =	simm.s32 $0x180  }
.LBB3_4:
0x80: {  	s11 =	sshra.s32 s10, $0x2;
	v10 =	vand.u32 $0x7FFFFFFF, v5;
	(erf) = vrcp.f32 v9;
	v9 =	vsub.f32 $0.0e+00, v8;
	v11 =	vmovc v5;
	p0 =	sne.s32 s10, $0x7C0  }
.Ltmp1:
0x81: {  	s10 =	sadd.s32 $0x40, s10;
	vm0 =	vlt.f32 v3, $0.0e+00;
	v3 =	vmovc v1;
	v1 =	vmovc v0;
	v0 =	vmov v2;
	v5 =	vld [tilespmem:s11+$0x800];
	v10 =	vmul.f32 $-2.000000000e+00, v10;
	(pc) =	sbr.rel @p0 .LBB3_4-.Ltmp1, $4  }
0x82: {  	v13 =	vsub.f32 $1.000000000e+00, v6;
	v2 =	vmov v4;
	v12 =	vpop (erf);
	v9 =	vsel vm0, v9, v8  }
0x83: {  	v6 =	vmov v7;
	v4 =	vmov v11;
	v10 =	vmul.f32 $1.442695020e+00, v10;
	v8 =	vpop (erf);
	[tilespmem:s26+$0x1600] =	vst v9;
	s26 =	smov.u32 s3;
	s3 =	smov.u32 s24;
	s24 =	smov.u32 s8  }
0x84: {  	v9 =	vadd.f32 $1.000000000e+00, v12;
	v7 =	vmov v12;
	s8 =	smov.u32 s7;
	s7 =	smov.u32 s9;
	s9 =	smov.u32 s11;
	v8 =	vmul.f32 v8, v13  }
0x85: {  	(erf) = vpow2.f32 v10  }
0x86: {  	v10 =	vand.u32 $0x7FFFFFFF, v5  }
0x87: {  	v10 =	vmul.f32 $-2.000000000e+00, v10;
	_ =	sdelay $0x1  }
0x88: {  	v10 =	vmul.f32 $1.442695020e+00, v10  }
0x89: {  	(erf) = vrcp.f32 v9  }
0x8a: {  	(erf) = vpow2.f32 v10;
	_ =	sdelay $0x4  }
0x8b: {  	v9 =	vpop (erf)  }
0x8c: {  	v10 =	vpop (erf)  }
0x8d: {  	v11 =	vpop (erf)  }
0x8e: {  	v12 =	vadd.f32 $1.000000000e+00, v9;
	v13 =	vpop (erf)  }
0x8f: {  	v14 =	vadd.f32 $1.000000000e+00, v11;
	v15 =	vpop (erf)  }
0x90: {  	(erf) = vrcp.f32 v12;
	v62 =	vadd.f32 $1.000000000e+00, v15  }
0x91: {  	(erf) = vrcp.f32 v14  }
0x92: {  	(erf) = vrcp.f32 v62  }
0x93: {  	v6 =	vsub.f32 $1.000000000e+00, v6  }
0x94: {  	v63 =	vsub.f32 $0.0e+00, v8  }
0x95: {  	vm0 =	vlt.f32 v3, $0.0e+00;
	v3 =	vmul.f32 v10, v6  }
0x96: {  	v6 =	vsub.f32 $1.000000000e+00, v7;
	v7 =	vsel vm0, v63, v8;
	v8 =	vsub.f32 $1.000000000e+00, v9  }
0x97: {  	v11 =	vsub.f32 $1.000000000e+00, v11;
	_ =	sdelay $0x1  }
0x98: {  	v9 =	vsub.f32 $0.0e+00, v3;
	v6 =	vmul.f32 v13, v6;
	v10 =	vpop (erf)  }
0x99: {  	vm11 =	vlt.f32 v1, $0.0e+00;
	v1 =	vmul.f32 v10, v8;
	v10 =	vsub.f32 $1.000000000e+00, v15;
	v8 =	vpop (erf)  }
0x9a: {  	v3 =	vsel vm11, v9, v3;
	v9 =	vsub.f32 $0.0e+00, v6;
	v8 =	vmul.f32 v8, v11;
	v11 =	vpop (erf)  }
0x9b: {  	vm12 =	vlt.f32 v0, $0.0e+00;
	[tilespmem:s26+$0x1600] =	vst v7;
	v0 =	vsub.f32 $0.0e+00, v1;
	v7 =	vmul.f32 v11, v10  }
0x9c: {  	vm13 =	vlt.f32 v2, $0.0e+00;
	[tilespmem:s3+$0x1600] =	vst v3;
	v3 =	vsel vm12, v9, v6;
	v2 =	vsub.f32 $0.0e+00, v8  }
0x9d: {  	vm14 =	vlt.f32 v4, $0.0e+00;
	[tilespmem:s24+$0x1600] =	vst v3;
	v0 =	vsel vm13, v0, v1;
	v1 =	vsub.f32 $0.0e+00, v7  }
0x9e: {  	vm15 =	vlt.f32 v5, $0.0e+00;
	[tilespmem:s8+$0x1600] =	vst v0;
	v0 =	vsel vm14, v2, v8  }
0x9f: {  	[tilespmem:s7+$0x1600] =	vst v0;
	v0 =	vsel vm15, v1, v7  }
0xa0: {  	s26 =	simm.s32 $0x1600;
	s24 =	simm.s32 $0x0;
	[tilespmem:s9+$0x1600] =	vst v0  }
0xa1: {  	[hbm4b:s12+s24] =	stream.linear.scatter [tilespmem:s26], [sflag:$0x1], $0x200, $0x38;
	[tilespmem:$0x1E00] =	vst v63  }
0xa2: {  	_ = 	snop  }
0xa3: {  	[hbm4b:s13+s24] =	stream.linear.scatter [tilespmem:s25], [sflag:$0x1], $0x200, $0x38;
	[tilespmem:$0x1E00] =	vst v63  }
0xa4: {  	_ =	swait.ge [sflag:s2], $0x200  }
0xa5: {  	[sflag:s2] =	ssyncset.done $0x0  }
0xa6: {  	[sflag:s2] =	ssyncadd.s32 $0xFFFFFE00  }
0xa7: {  	_ =	swait.ge [sflag:s2], $0x200  }
0xa8: {  	[sflag:s2] =	ssyncset.done $0x0  }
0xa9: {  	[sflag:s2] =	ssyncadd.s32 $0xFFFFFE00  }
0xaa: {  	_ =	swait.ge [sflag:s2], $0x200  }
0xab: {  	[sflag:s2] =	ssyncset.done $0x0  }
0xac: {  	[sflag:s2] =	ssyncadd.s32 $0xFFFFFE00  }
0xad: {  	_ =	swait.ge [sflag:s2], $0x200  }
0xae: {  	[sflag:s2] =	ssyncset.done $0x0  }
0xaf: {  	[sflag:s2] =	ssyncadd.s32 $0xFFFFFE00  }
0xb0: {  	[hbm4b:s14+s24] =	stream.linear.scatter [tilespmem:s30], [sflag:$0x1], $0x200, $0x38;
	[tilespmem:$0x1E00] =	vst v63  }
0xb1: {  	_ = 	snop  }
0xb2: {  	[hbm4b:s15+s24] =	stream.linear.scatter [tilespmem:s5], [sflag:$0x1], $0x200, $0x38;
	[tilespmem:$0x1E00] =	vst v63  }
0xb3: {  	s3 =	simm.s32 $0x0  }
0xb4: {  	[hbm4b:s16+s24] =	stream.linear.scatter [tilespmem:s6], [sflag:$0x1], $0x200, $0x38;
	[tilespmem:$0x1E00] =	vst v63  }
0xb5: {  	v5 =	vld [tilespmem:s3+$0xE00]  }
0xb6: {  	v6 =	vld [tilespmem:s3+$0x1000]  }
0xb7: {  	v7 =	vld [tilespmem:s3+$0x600]  }
0xb8: {  	v8 =	vld [tilespmem:s3+$0x1200]  }
0xb9: {  	v9 =	vld [tilespmem:s3+$0x1600]  }
0xba: {  	s7 =	simm.s32 $0x10;
	v4 =	vld [tilespmem:s3+$0xC00]  }
0xbb: {  	v0 =	vld [tilespmem:s7+$0xE00]  }
0xbc: {  	v1 =	vld [tilespmem:s7+$0x1000]  }
0xbd: {  	v3 =	vld [tilespmem:s7+$0x600]  }
0xbe: {  	v2 =	vld [tilespmem:s7+$0x1200];
	v10 =	vmax.f32 v5, $-2.000000000e+00;
	v6 =	vmul.f32 v7, v6;
	v7 =	vmul.f32 v9, v8  }
0xbf: {  	s8 =	simm.s32 $0x80;
	v5 =	vld [tilespmem:s7+$0x1600];
	v8 =	vmin.f32 v10, $2.000000000e+00  }
.LBB3_6:
0xc0: {  	s9 =	sshra.s32 s8, $0x2;
	v9 =	vadd.f32 v8, v4;
	v4 =	vld [tilespmem:s7+$0xC00];
	v6 =	vadd.f32 v7, v6;
	[tilespmem:s3+$0x1400] =	vst v8;
	v7 =	vmov v0;
	p0 =	sne.s32 s8, $0x7C0  }
.Ltmp2:
0xc1: {  	v0 =	vld [tilespmem:s9+$0xE00];
	v8 =	vmov v1;
	(pc) =	sbr.rel @p0 .LBB3_6-.Ltmp2, $4  }
0xc2: {  	v1 =	vld [tilespmem:s9+$0x1000];
	[tilespmem:s3+$0x1800] =	vst v9;
	v9 =	vmul.f32 v6, v9;
	v10 =	vmov v3  }
0xc3: {  	v3 =	vld [tilespmem:s9+$0x600];
	[tilespmem:s3+$0x1A00] =	vst v6  }
0xc4: {  	s8 =	sadd.s32 $0x40, s8;
	v11 =	vmax.f32 v7, $-2.000000000e+00;
	v6 =	vmul.f32 v10, v8;
	v7 =	vmul.f32 v5, v2;
	v2 =	vld [tilespmem:s9+$0x1200];
	[tilespmem:s3+$0x1C00] =	vst v9;
	s3 =	smov.u32 s7  }
0xc5: {  	v8 =	vmin.f32 v11, $2.000000000e+00;
	s7 =	smov.u32 s9;
	v5 =	vld [tilespmem:s9+$0x1600]  }
0xc6: {  	_ = 	snop  }
0xc7: {  	v9 =	vld [tilespmem:s7+$0xC00];
	v4 =	vadd.f32 v8, v4;
	v6 =	vadd.f32 v7, v6;
	_ =	sdelay $0x1  }
0xc8: {  	[tilespmem:s3+$0x1400] =	vst v8;
	v7 =	vmul.f32 v6, v4  }
0xc9: {  	v0 =	vmax.f32 v0, $-2.000000000e+00;
	[tilespmem:s3+$0x1800] =	vst v4;
	v1 =	vmul.f32 v3, v1;
	v2 =	vmul.f32 v5, v2  }
0xca: {  	v0 =	vmin.f32 v0, $2.000000000e+00;
	[tilespmem:s3+$0x1A00] =	vst v6  }
0xcb: {  	[tilespmem:s3+$0x1C00] =	vst v7;
	v62 =	vadd.f32 v0, v9;
	v1 =	vadd.f32 v2, v1  }
0xcc: {  	[tilespmem:s7+$0x1400] =	vst v0  }
0xcd: {  	[tilespmem:s7+$0x1800] =	vst v62;
	v63 =	vmul.f32 v1, v62  }
0xce: {  	[tilespmem:s7+$0x1A00] =	vst v1  }
0xcf: {  	s11 =	simm.s32 $0x1400;
	[tilespmem:s7+$0x1C00] =	vst v63  }
0xd0: {  	[hbm4b:s17+s4] =	stream.linear.scatter [tilespmem:s11], [sflag:$0x1], $0x200, $0x38;
	[tilespmem:$0x1E00] =	vst v63  }
0xd1: {  	s24 =	simm.s32 $0x1800  }
0xd2: {  	[hbm4b:s18+s4] =	stream.linear.scatter [tilespmem:s24], [sflag:$0x1], $0x200, $0x38;
	[tilespmem:$0x1E00] =	vst v63  }
0xd3: {  	s26 =	simm.s32 $0x1A00  }
0xd4: {  	[hbm4b:s19+s4] =	stream.linear.scatter [tilespmem:s26], [sflag:$0x1], $0x200, $0x38;
	[tilespmem:$0x1E00] =	vst v63  }
0xd5: {  	_ = 	snop  }
0xd6: {  	[hbm4b:s20+s4] =	stream.linear.scatter [tilespmem:s31], [sflag:$0x1], $0x200, $0x38;
	[tilespmem:$0x1E00] =	vst v63  }
0xd7: {  	_ = 	snop  }
0xd8: {  	[hbm4b:s21+s4] =	stream.linear.scatter [tilespmem:s31], [sflag:$0x1], $0x200, $0x38;
	[tilespmem:$0x1E00] =	vst v63  }
0xd9: {  	_ =	swait.ge [sflag:s28], $0x200  }
0xda: {  	[sflag:s28] =	ssyncset.done $0x0  }
0xdb: {  	[sflag:s28] =	ssyncadd.s32 $0xFFFFFE00  }
0xdc: {  	_ =	swait.ge [sflag:s28], $0x200  }
0xdd: {  	[sflag:s28] =	ssyncset.done $0x0  }
0xde: {  	[sflag:s28] =	ssyncadd.s32 $0xFFFFFE00  }
0xdf: {  	_ =	swait.ge [sflag:s28], $0x200  }
0xe0: {  	[sflag:s28] =	ssyncset.done $0x0  }
0xe1: {  	[sflag:s28] =	ssyncadd.s32 $0xFFFFFE00  }
0xe2: {  	_ =	swait.ge [sflag:s28], $0x200  }
0xe3: {  	[sflag:s28] =	ssyncset.done $0x0  }
0xe4: {  	[sflag:s28] =	ssyncadd.s32 $0xFFFFFE00  }
0xe5: {  	_ =	swait.ge [sflag:s28], $0x200  }
0xe6: {  	[sflag:s28] =	ssyncset.done $0x0  }
0xe7: {  	[sflag:s28] =	ssyncadd.s32 $0xFFFFFE00  }
0xe8: {  	_ =	swait.ge [sflag:s28], $0x200  }
0xe9: {  	[sflag:s28] =	ssyncset.done $0x0  }
0xea: {  	[sflag:s28] =	ssyncadd.s32 $0xFFFFFE00  }
0xeb: {  	_ =	swait.ge [sflag:s28], $0x200  }
0xec: {  	[sflag:s28] =	ssyncset.done $0x0  }
0xed: {  	[sflag:s28] =	ssyncadd.s32 $0xFFFFFE00  }
0xee: {  	_ =	swait.ge [sflag:s28], $0x200  }
0xef: {  	[sflag:s28] =	ssyncset.done $0x0  }
0xf0: {  	s1 =	sadd.s32 $0x1, s1;
	[sflag:s28] =	ssyncadd.s32 $0xFFFFFE00  }
0xf1: {  	p0 =	sne.s32 s1, s22;
	_ =	swait.ge [sflag:s28], $0x200  }
.Ltmp3:
0xf2: {  	[sflag:s28] =	ssyncset.done $0x0;
	(pc) =	sbr.rel @p0 .LBB3_1-.Ltmp3, $4  }
0xf3: {  	[sflag:s28] =	ssyncadd.s32 $0xFFFFFE00  }
0xf4: {  	_ =	swait.ge [sflag:s28], $0x200  }
0xf5: {  	[sflag:s28] =	ssyncset.done $0x0  }
0xf6: {  	[sflag:s28] =	ssyncadd.s32 $0xFFFFFE00  }
0xf7: {  	_ =	sfence.sel $0x180000  }
0xf8: {  	[bflag:$0x0] =	sbarrier.arrive $0xFFFF  }
0xf9: {  	_ =	strace $0x90000047  }
0xfa: {  	s0 =	stileid.u32;
	[bflag:$0x2] =	sbarrier.arrive $0xFFFF  }
0xfb: {  	p0 =	sne.s32 s0, $0x0;
	s0 =	rddreg [dreg:$0xe]  }
0xfc: {  	s0 =	sadd.s32 @!p0 $0x100000, s0  }
0xfd: {  	[sflag:s0] =	ssyncadd.tile.s32 @!p0 $0x1;
	_ =	shalt  }
.Lfunc_end3:
_tile_overlayer_lowered:
.L_overlay_start_3:
0xfe: {  	(tag) =	ssettag $0x3  }
0xff: {  	s0 =	rddreg [dreg:$0x0];
	s2 =	stileid.u32  }
0x100: {  	s1 =	rddreg [dreg:$0x1];
	p0 =	sne.s32 s2, $0x0  }
0x101: {  	s3 =	rddreg [dreg:$0x2];
	[bflag:$0x3] =	sbarrier.arrive $0xFFFF;
	s2 =	simm.s32 @!p0 $0x1C04  }
0x102: {  	[timem:s3], [sflag:s2] =	dma.local @!p0 [hbm:s0], s1  }
0x103: {  	s0 =	simm.s32 @!p0 $0x4  }
0x104: {  	_ =	swait.ge @!p0 [sflag:s0], s1  }
0x105: {  	s1 =	ssub.s32 @!p0 $0x0, s1;
	[sflag:s0] =	ssyncset.done @!p0 $0x0  }
0x106: {  	[sflag:s0] =	ssyncadd.s32 @!p0 s1  }
0x107: {  	[bflag:$0x3] =	sbarrier.arrive $0xFFFF  }
0x108: {  	_ =	shalt  }

</sc_bundles>
